<compile_context>
chip_gen: v7x
topology: tpu7x:2x2x1
jax: 0.10.2.dev20260603
libtpu: 0.0.44.dev20260713+nightly
codegen_flags: <defaults>
</compile_context>

<pallas_src>
import functools

import jax
import jax.numpy as jnp
from jax import lax
from jax.experimental import pallas as pl
from jax.experimental.pallas import tpu as pltpu
from jax.experimental.pallas import tpu_sc as plsc

NC = 2
NS = 16
NW = NC * NS
LANES = 16
CHUNK = 128

def _mesh():
    return plsc.VectorSubcoreMesh(
        core_axis_name="c", subcore_axis_name="s", num_cores=NC, num_subcores=NS
    )


def _acc_rows(n):
    blk = NS * 128
    return ((n + 1 + blk - 1) // blk) * blk


def _sc_degree(dst3, n):
    C = dst3.shape[1]
    R = _acc_rows(n)
    rps = R // NS

    @functools.partial(
        pl.kernel,
        out_type=jax.ShapeDtypeStruct((NC, R, LANES), jnp.float32),
        mesh=_mesh(),
        scratch_types=[
            pltpu.VMEM((C, CHUNK), jnp.int32),
            pltpu.VMEM((128, LANES), jnp.float32),
            pltpu.VMEM_SHARED((R, LANES), jnp.float32),
        ],
    )
    def k(dst_hbm, out_hbm, dst_v, fill_v, acc):
        cid = lax.axis_index("c")
        sid = lax.axis_index("s")
        wid = sid * NC + cid
        pltpu.sync_copy(dst_hbm.at[wid], dst_v)

        zero = jnp.zeros((LANES,), jnp.float32)

        @pl.loop(0, 128)
        def _(r):
            fill_v[r, pl.ds(0, LANES)] = zero

        base = sid * rps

        @pl.loop(0, rps, step=128)
        def _(r):
            pltpu.sync_copy(fill_v, acc.at[pl.ds(base + r, 128)])

        one = jnp.ones((LANES,), jnp.float32)

        @pl.loop(0, 128)
        def _(r):
            fill_v[r, pl.ds(0, LANES)] = one

        plsc.subcore_barrier()

        @pl.loop(0, C)
        def _(j):
            pltpu.sync_copy(fill_v, acc.at[dst_v.at[j]], add=True)

        plsc.subcore_barrier()
        pltpu.sync_copy(
            acc.at[pl.ds(base, rps)], out_hbm.at[cid].at[pl.ds(base, rps)]
        )

    return k(dst3)


def _sc_scatter(h, src3, dst3):
    n, D = h.shape
    C = src3.shape[1]
    R = _acc_rows(n)
    rps = R // NS

    assert C % 2 == 0 and C >= 4

    @functools.partial(
        pl.kernel,
        out_type=jax.ShapeDtypeStruct((NC, R, D), jnp.float32),
        mesh=_mesh(),
        scratch_types=[
            pltpu.VMEM((C, CHUNK), jnp.int32),
            pltpu.VMEM((CHUNK,), jnp.int32),
            pltpu.VMEM((CHUNK,), jnp.int32),
            pltpu.VMEM((CHUNK, D), jnp.float32),
            pltpu.VMEM((CHUNK, D), jnp.float32),
            pltpu.VMEM_SHARED((R, D), jnp.float32),
            pltpu.SemaphoreType.DMA,
            pltpu.SemaphoreType.DMA,
            pltpu.SemaphoreType.DMA,
            pltpu.SemaphoreType.DMA,
        ],
    )
    def k(h_hbm, src_hbm, dst_hbm, out_hbm, dst_v, cur0, cur1,
          buf0, buf1, acc, gsem0, gsem1, ssem0, ssem1):
        cid = lax.axis_index("c")
        sid = lax.axis_index("s")
        wid = sid * NC + cid
        pltpu.sync_copy(dst_hbm.at[wid], dst_v)
        src_rows = src_hbm.at[wid]

        cur = (cur0, cur1)
        buf = (buf0, buf1)
        gsem = (gsem0, gsem1)
        ssem = (ssem0, ssem1)

        zero = jnp.zeros((LANES,), jnp.float32)

        @pl.loop(0, CHUNK)
        def _(r):
            for cix in range(0, D, LANES):
                buf0[r, pl.ds(cix, LANES)] = zero

        base = sid * rps

        @pl.loop(0, rps, step=CHUNK)
        def _(r):
            pltpu.sync_copy(buf0, acc.at[pl.ds(base + r, CHUNK)])

        plsc.subcore_barrier()

        def stage(b, j):
            pltpu.sync_copy(src_rows.at[j], cur[b])

        def gather_start(b):
            pltpu.async_copy(h_hbm.at[cur[b]], buf[b], gsem[b])

        def gather_wait(b):
            pltpu.make_async_copy(h_hbm.at[cur[b]], buf[b], gsem[b]).wait()

        def scat_start(b, j):
            pltpu.async_copy(buf[b], acc.at[dst_v.at[j]], ssem[b], add=True)

        def scat_wait(b, j):
            pltpu.make_async_copy(buf[b], acc.at[dst_v.at[j]], ssem[b]).wait()

        stage(0, 0)
        gather_start(0)
        stage(1, 1)
        gather_start(1)
        gather_wait(0)
        scat_start(0, 0)

        @pl.loop(0, (C - 2) // 2)
        def _(i):
            j = 2 + 2 * i
            scat_wait(0, j - 2)
            stage(0, j)
            gather_start(0)
            gather_wait(1)
            scat_start(1, j - 1)
            scat_wait(1, j - 1)
            stage(1, j + 1)
            gather_start(1)
            gather_wait(0)
            scat_start(0, j)

        scat_wait(0, C - 2)
        gather_wait(1)
        scat_start(1, C - 1)
        scat_wait(1, C - 1)

        plsc.subcore_barrier()
        pltpu.sync_copy(
            acc.at[pl.ds(base, rps)], out_hbm.at[cid].at[pl.ds(base, rps)]
        )

    return k(h, src3, dst3)


def _sc_gather_test(h, src3):
    n, D = h.shape
    C = src3.shape[1]

    @functools.partial(
        pl.kernel,
        out_type=jax.ShapeDtypeStruct((NW, C * CHUNK, D), jnp.float32),
        mesh=_mesh(),
        scratch_types=[
            pltpu.VMEM((C, CHUNK), jnp.int32),
            pltpu.VMEM((CHUNK,), jnp.int32),
            pltpu.VMEM((CHUNK, D), jnp.float32),
        ],
    )
    def k(h_hbm, src_hbm, out_hbm, src_v, src_cur, buf):
        cid = lax.axis_index("c")
        sid = lax.axis_index("s")
        wid = sid * NC + cid
        pltpu.sync_copy(src_hbm.at[wid], src_v)

        @pl.loop(0, C)
        def _(j):
            @pl.loop(0, CHUNK, step=LANES)
            def _(t):
                src_cur[pl.ds(t, LANES)] = src_v[j, pl.ds(t, LANES)]

            pltpu.sync_copy(h_hbm.at[src_cur], buf)
            pltpu.sync_copy(buf, out_hbm.at[wid].at[pl.ds(j * CHUNK, CHUNK)])

    return k(h, src3)


def _tc_matmul(x, W):
    def body(x_ref, w_ref, o_ref):
        o_ref[...] = jnp.dot(
            x_ref[...], w_ref[...], preferred_element_type=jnp.float32
        )

    return pl.pallas_call(
        body,
        out_shape=jax.ShapeDtypeStruct((x.shape[0], W.shape[1]), jnp.float32),
    )(x, W)


def _tc_prep(xw, degp):
    n = xw.shape[0]

    def body(xw_ref, degp_ref, h_ref, dinv_ref):
        deg = degp_ref[0, :n, 0:1] + degp_ref[1, :n, 0:1] + 1.0
        dinv = lax.rsqrt(deg)
        dinv_ref[...] = dinv
        h_ref[...] = xw_ref[...] * dinv

    return pl.pallas_call(
        body,
        out_shape=(
            jax.ShapeDtypeStruct(xw.shape, jnp.float32),
            jax.ShapeDtypeStruct((n, 1), jnp.float32),
        ),
    )(xw, degp)


def _elu(x):
    return jnp.where(x > 0, x, jnp.exp(jnp.minimum(x, 0.0)) - 1.0)


def _tc_mid(acc, hp, dinv, b, W2):
    n, D = hp.shape

    def body(a_ref, h_ref, d_ref, b_ref, w_ref, o_ref):
        s = a_ref[0, :n, :] + a_ref[1, :n, :] + h_ref[...]
        act = _elu(s * d_ref[...] + b_ref[...])
        o_ref[...] = (
            jnp.dot(act, w_ref[...], preferred_element_type=jnp.float32)
            * d_ref[...]
        )

    return pl.pallas_call(
        body, out_shape=jax.ShapeDtypeStruct((n, D), jnp.float32)
    )(acc, hp, dinv, b.reshape(1, D), W2)


def _tc_final(acc, hp, dinv, b):
    n, D = hp.shape

    def body(a_ref, h_ref, d_ref, b_ref, o_ref):
        s = a_ref[0, :n, :] + a_ref[1, :n, :] + h_ref[...]
        o_ref[...] = _elu(s * d_ref[...] + b_ref[...])

    return pl.pallas_call(
        body, out_shape=jax.ShapeDtypeStruct((n, D), jnp.float32)
    )(acc, hp, dinv, b.reshape(1, D))


def kernel(x, edge_index, W1, b1, W2, b2):
    n, D = x.shape
    E = edge_index.shape[1]

    chunks = -(-E // (NW * CHUNK))
    chunks += chunks % 2
    slots_per_tile = chunks * CHUNK
    pad = NW * slots_per_tile - E
    src = edge_index[0].astype(jnp.int32)
    dst = edge_index[1].astype(jnp.int32)
    src3 = jnp.concatenate([src, jnp.zeros((pad,), jnp.int32)]).reshape(
        NW, slots_per_tile // CHUNK, CHUNK
    )
    dst3 = jnp.concatenate([dst, jnp.full((pad,), n, jnp.int32)]).reshape(
        NW, slots_per_tile // CHUNK, CHUNK
    )

    R = _acc_rows(n)

    def _jnp_scatter(h, s, d):
        a = jnp.zeros((R, h.shape[1]), jnp.float32).at[d].add(h[s])
        return jnp.stack([a, jnp.zeros_like(a)])

    degp = _sc_degree(dst3, n)
    xw1 = _tc_matmul(x, W1)
    h1p, dinv = _tc_prep(xw1, degp)
    acc1 = _sc_scatter(h1p, src3, dst3)
    h2p = _tc_mid(acc1, h1p, dinv, b1, W2)
    acc2 = _sc_scatter(h2p, src3, dst3)
    return _tc_final(acc2, h2p, dinv, b2)

# --- scband reference (transcript-rebuilt; emitter-appended) ---
"""Pipeline reference for scband-gnnencoder-42640435315107 (READ-ONLY COPY).

The authoritative reference and input builder live on the scoring server;
editing this copy changes nothing except your own understanding.
"""

import jax, jax.numpy as jnp
import numpy as np

N = 10000
E = 320000
D = 128


def setup_inputs(seed: int = 0) -> dict:
    key = jax.random.key(seed)
    k1, k2, k3, k4, k5, k6 = jax.random.split(key, 6)
    x = jax.random.normal(k1, (N, D), dtype=jnp.float32)
    edge_index = jax.random.randint(k2, (2, E), 0, N)
    s = 1.0 / np.sqrt(D)
    W1 = jax.random.uniform(k3, (D, D), dtype=jnp.float32, minval=-s, maxval=s)
    b1 = jnp.zeros((D,), dtype=jnp.float32)
    W2 = jax.random.uniform(k4, (D, D), dtype=jnp.float32, minval=-s, maxval=s)
    b2 = jnp.zeros((D,), dtype=jnp.float32)
    return {"x": x, "edge_index": edge_index, "W1": W1, "b1": b1, "W2": W2, "b2": b2}


def gcn_conv(x, src, dst, W, b, n):
    # GCNConv: add self-loops, symmetric normalization D^{-1/2} (A+I) D^{-1/2} X W + b
    loop = jnp.arange(n, dtype=src.dtype)
    s = jnp.concatenate([src, loop])
    d = jnp.concatenate([dst, loop])
    deg = jnp.zeros((n,), x.dtype).at[d].add(1.0)
    dinv = jnp.where(deg > 0, 1.0 / jnp.sqrt(deg), 0.0)
    norm = dinv[s] * dinv[d]
    h = x @ W
    msg = h[s] * norm[:, None]
    out = jnp.zeros((n, h.shape[1]), h.dtype).at[d].add(msg)
    return out + b


def reference(x, edge_index, W1, b1, W2, b2):
    src = edge_index[0]
    dst = edge_index[1]
    n = x.shape[0]
    # layer 0: dropout(p=0, eval) -> conv -> Identity bn -> elu
    h = gcn_conv(x, src, dst, W1, b1, n)
    h = jax.nn.elu(h)
    # layer 1 (last): dropout -> conv -> Identity bn -> elu
    h = gcn_conv(h, src, dst, W2, b2, n)
    h = jax.nn.elu(h)
    return h

if __name__ == "__main__":
    import jax
    _d = setup_inputs()
    print(jax.jit(kernel)(*tuple(_d.values())))

</pallas_src>

<mosaic_0001>
#map = affine_map<(d0, d1) -> (0, 0)>
#map1 = affine_map<(d0, d1) -> (0, 0, 0)>
module attributes {stable_mosaic.version = 14 : i64} {
  func.func @k(%arg0: i32, %arg1: i32, %arg2: memref<10000x128xf32, #tpu.memory_space<hbm>>, %arg3: memref<32x80x128xi32, #tpu.memory_space<hbm>>, %arg4: memref<32x80x128xi32, #tpu.memory_space<hbm>>, %arg5: memref<2x10240x128xf32, #tpu.memory_space<hbm>>, %arg6: memref<80x128xi32, #tpu.memory_space<vmem>>, %arg7: memref<128xi32, #tpu.memory_space<vmem>>, %arg8: memref<128xi32, #tpu.memory_space<vmem>>, %arg9: memref<128x128xf32, #tpu.memory_space<vmem>>, %arg10: memref<128x128xf32, #tpu.memory_space<vmem>>, %arg11: memref<10240x128xf32, #tpu.memory_space<vmem_shared>>, %arg12: memref<!tpu.dma_semaphore, #tpu.memory_space<semaphore_mem>>, %arg13: memref<!tpu.dma_semaphore, #tpu.memory_space<semaphore_mem>>, %arg14: memref<!tpu.dma_semaphore, #tpu.memory_space<semaphore_mem>>, %arg15: memref<!tpu.dma_semaphore, #tpu.memory_space<semaphore_mem>>) attributes {dimension_semantics = [#tpu.dimension_semantics<core_parallel>, #tpu.dimension_semantics<subcore_parallel>], iteration_bounds = array<i64: 2, 16>, scalar_prefetch = 0 : i64, scratch_operands = 10 : i64, tpu.core_type = #tpu.core_type<sc_vector_subcore>, window_params = [{transform_indices = #map}, {transform_indices = #map1}, {transform_indices = #map1}, {transform_indices = #map1}]} {
    %mul3A = arith.constant 2 : i32
    %mul3A_0 = arith.muli %arg1, %mul3A : i32
    %add3A = arith.addi %mul3A_0, %arg0 : i32
    "tpu.region"() ({
      %run_scoped3A_58 = tpu.sem_alloc : memref<!tpu.dma_semaphore, #tpu.memory_space<semaphore_mem>>
      %dma_start3A_59 = arith.constant 0 : i32
      %dma_start3A_60 = arith.constant 0 : i32
      %dma_start3A_61 = tpu.memref_slice %arg4[%add3A, %dma_start3A_59, %dma_start3A_60] : memref<32x80x128xi32, #tpu.memory_space<hbm>> -> memref<1x80x128xi32, #tpu.memory_space<hbm>>
      %dma_start3A_62 = tpu.memref_squeeze %dma_start3A_61 : memref<1x80x128xi32, #tpu.memory_space<hbm>> -> memref<80x128xi32, #tpu.memory_space<hbm>>
      %dma_start3A_63 = arith.constant 0 : i32
      %dma_start3A_64 = arith.constant 0 : i32
      %dma_start3A_65 = tpu.memref_slice %arg4[%add3A, %dma_start3A_63, %dma_start3A_64] : memref<32x80x128xi32, #tpu.memory_space<hbm>> -> memref<1x80x128xi32, #tpu.memory_space<hbm>>
      %dma_start3A_66 = tpu.memref_squeeze %dma_start3A_65 : memref<1x80x128xi32, #tpu.memory_space<hbm>> -> memref<80x128xi32, #tpu.memory_space<hbm>>
      tpu.enqueue_dma source(%dma_start3A_66 : memref<80x128xi32, #tpu.memory_space<hbm>>) target(%arg6 : memref<80x128xi32, #tpu.memory_space<vmem>>) target_semaphore(%run_scoped3A_58 : memref<!tpu.dma_semaphore, #tpu.memory_space<semaphore_mem>>)
      %dma_wait3A_67 = arith.constant 0 : i32
      %dma_wait3A_68 = arith.constant 0 : i32
      %dma_wait3A_69 = tpu.memref_slice %arg4[%add3A, %dma_wait3A_67, %dma_wait3A_68] : memref<32x80x128xi32, #tpu.memory_space<hbm>> -> memref<1x80x128xi32, #tpu.memory_space<hbm>>
      %dma_wait3A_70 = tpu.memref_squeeze %dma_wait3A_69 : memref<1x80x128xi32, #tpu.memory_space<hbm>> -> memref<80x128xi32, #tpu.memory_space<hbm>>
      %dma_wait3A_71 = arith.constant 0 : i32
      %dma_wait3A_72 = arith.constant 0 : i32
      %dma_wait3A_73 = tpu.memref_slice %arg4[%add3A, %dma_wait3A_71, %dma_wait3A_72] : memref<32x80x128xi32, #tpu.memory_space<hbm>> -> memref<1x80x128xi32, #tpu.memory_space<hbm>>
      %dma_wait3A_74 = tpu.memref_squeeze %dma_wait3A_73 : memref<1x80x128xi32, #tpu.memory_space<hbm>> -> memref<80x128xi32, #tpu.memory_space<hbm>>
      tpu.wait_dma2 semaphore(%run_scoped3A_58 : memref<!tpu.dma_semaphore, #tpu.memory_space<semaphore_mem>>) src(%dma_wait3A_74 : memref<80x128xi32, #tpu.memory_space<hbm>>) dst(%arg6 : memref<80x128xi32, #tpu.memory_space<vmem>>)
      tpu.yield
    }) : () -> ()
    %broadcast_in_dim3A = arith.constant 0.000000e+00 : f32
    %broadcast_in_dim3A_1 = vector.broadcast %broadcast_in_dim3A : f32 to vector<16xf32>
    %scan3A = arith.constant 0 : i32
    %scan3A_2 = arith.constant 128 : i32
    %scan3A_3 = arith.addi %scan3A, %scan3A_2 : i32
    %scan3A_4 = arith.constant 1 : i32
    scf.for %scan3A_58 = %scan3A to %scan3A_3 step %scan3A_4  : i32 {
      %mul3A_59 = arith.constant 1 : i32
      %mul3A_60 = arith.muli %scan3A_58, %mul3A_59 : i32
      %add3A_61 = arith.constant 0 : i32
      %add3A_62 = arith.addi %add3A_61, %mul3A_60 : i32
      %swap3A = arith.index_cast %add3A_62 : i32 to index
      %swap3A_63 = arith.constant 0 : index
      %swap3A_64 = tpu.vector_load %arg9[%swap3A, %swap3A_63] {strides = array<i32>} : memref<128x128xf32, #tpu.memory_space<vmem>>, vector<1x16xf32>,
      %swap3A_65 = vector.shape_cast %swap3A_64 : vector<1x16xf32> to vector<16xf32>
      %swap3A_66 = vector.shape_cast %broadcast_in_dim3A_1 : vector<16xf32> to vector<1x16xf32>
      tpu.vector_store %arg9[%swap3A, %swap3A_63], %swap3A_66 {strides = array<i32>} : memref<128x128xf32, #tpu.memory_space<vmem>>, vector<1x16xf32>,
      %swap3A_67 = arith.index_cast %add3A_62 : i32 to index
      %swap3A_68 = arith.constant 16 : index
      %swap3A_69 = tpu.vector_load %arg9[%swap3A_67, %swap3A_68] {strides = array<i32>} : memref<128x128xf32, #tpu.memory_space<vmem>>, vector<1x16xf32>,
      %swap3A_70 = vector.shape_cast %swap3A_69 : vector<1x16xf32> to vector<16xf32>
      %swap3A_71 = vector.shape_cast %broadcast_in_dim3A_1 : vector<16xf32> to vector<1x16xf32>
      tpu.vector_store %arg9[%swap3A_67, %swap3A_68], %swap3A_71 {strides = array<i32>} : memref<128x128xf32, #tpu.memory_space<vmem>>, vector<1x16xf32>,
      %swap3A_72 = arith.index_cast %add3A_62 : i32 to index
      %swap3A_73 = arith.constant 32 : index
      %swap3A_74 = tpu.vector_load %arg9[%swap3A_72, %swap3A_73] {strides = array<i32>} : memref<128x128xf32, #tpu.memory_space<vmem>>, vector<1x16xf32>,
      %swap3A_75 = vector.shape_cast %swap3A_74 : vector<1x16xf32> to vector<16xf32>
      %swap3A_76 = vector.shape_cast %broadcast_in_dim3A_1 : vector<16xf32> to vector<1x16xf32>
      tpu.vector_store %arg9[%swap3A_72, %swap3A_73], %swap3A_76 {strides = array<i32>} : memref<128x128xf32, #tpu.memory_space<vmem>>, vector<1x16xf32>,
      %swap3A_77 = arith.index_cast %add3A_62 : i32 to index
      %swap3A_78 = arith.constant 48 : index
      %swap3A_79 = tpu.vector_load %arg9[%swap3A_77, %swap3A_78] {strides = array<i32>} : memref<128x128xf32, #tpu.memory_space<vmem>>, vector<1x16xf32>,
      %swap3A_80 = vector.shape_cast %swap3A_79 : vector<1x16xf32> to vector<16xf32>
      %swap3A_81 = vector.shape_cast %broadcast_in_dim3A_1 : vector<16xf32> to vector<1x16xf32>
      tpu.vector_store %arg9[%swap3A_77, %swap3A_78], %swap3A_81 {strides = array<i32>} : memref<128x128xf32, #tpu.memory_space<vmem>>, vector<1x16xf32>,
      %swap3A_82 = arith.index_cast %add3A_62 : i32 to index
      %swap3A_83 = arith.constant 64 : index
      %swap3A_84 = tpu.vector_load %arg9[%swap3A_82, %swap3A_83] {strides = array<i32>} : memref<128x128xf32, #tpu.memory_space<vmem>>, vector<1x16xf32>,
      %swap3A_85 = vector.shape_cast %swap3A_84 : vector<1x16xf32> to vector<16xf32>
      %swap3A_86 = vector.shape_cast %broadcast_in_dim3A_1 : vector<16xf32> to vector<1x16xf32>
      tpu.vector_store %arg9[%swap3A_82, %swap3A_83], %swap3A_86 {strides = array<i32>} : memref<128x128xf32, #tpu.memory_space<vmem>>, vector<1x16xf32>,
      %swap3A_87 = arith.index_cast %add3A_62 : i32 to index
      %swap3A_88 = arith.constant 80 : index
      %swap3A_89 = tpu.vector_load %arg9[%swap3A_87, %swap3A_88] {strides = array<i32>} : memref<128x128xf32, #tpu.memory_space<vmem>>, vector<1x16xf32>,
      %swap3A_90 = vector.shape_cast %swap3A_89 : vector<1x16xf32> to vector<16xf32>
      %swap3A_91 = vector.shape_cast %broadcast_in_dim3A_1 : vector<16xf32> to vector<1x16xf32>
      tpu.vector_store %arg9[%swap3A_87, %swap3A_88], %swap3A_91 {strides = array<i32>} : memref<128x128xf32, #tpu.memory_space<vmem>>, vector<1x16xf32>,
      %swap3A_92 = arith.index_cast %add3A_62 : i32 to index
      %swap3A_93 = arith.constant 96 : index
      %swap3A_94 = tpu.vector_load %arg9[%swap3A_92, %swap3A_93] {strides = array<i32>} : memref<128x128xf32, #tpu.memory_space<vmem>>, vector<1x16xf32>,
      %swap3A_95 = vector.shape_cast %swap3A_94 : vector<1x16xf32> to vector<16xf32>
      %swap3A_96 = vector.shape_cast %broadcast_in_dim3A_1 : vector<16xf32> to vector<1x16xf32>
      tpu.vector_store %arg9[%swap3A_92, %swap3A_93], %swap3A_96 {strides = array<i32>} : memref<128x128xf32, #tpu.memory_space<vmem>>, vector<1x16xf32>,
      %swap3A_97 = arith.index_cast %add3A_62 : i32 to index
      %swap3A_98 = arith.constant 112 : index
      %swap3A_99 = tpu.vector_load %arg9[%swap3A_97, %swap3A_98] {strides = array<i32>} : memref<128x128xf32, #tpu.memory_space<vmem>>, vector<1x16xf32>,
      %swap3A_100 = vector.shape_cast %swap3A_99 : vector<1x16xf32> to vector<16xf32>
      %swap3A_101 = vector.shape_cast %broadcast_in_dim3A_1 : vector<16xf32> to vector<1x16xf32>
      tpu.vector_store %arg9[%swap3A_97, %swap3A_98], %swap3A_101 {strides = array<i32>} : memref<128x128xf32, #tpu.memory_space<vmem>>, vector<1x16xf32>,
    }
    %scan3A_5 = arith.constant 128 : i32
    %mul3A_6 = arith.constant 640 : i32
    %mul3A_7 = arith.muli %arg1, %mul3A_6 : i32
    %scan3A_8 = arith.constant 0 : i32
    %scan3A_9 = arith.constant 5 : i32
    %scan3A_10 = arith.addi %scan3A_8, %scan3A_9 : i32
    %scan3A_11 = arith.constant 1 : i32
    scf.for %scan3A_58 = %scan3A_8 to %scan3A_10 step %scan3A_11  : i32 {
      %mul3A_59 = arith.constant 128 : i32
      %mul3A_60 = arith.muli %scan3A_58, %mul3A_59 : i32
      %add3A_61 = arith.constant 0 : i32
      %add3A_62 = arith.addi %add3A_61, %mul3A_60 : i32
      %add3A_63 = arith.addi %mul3A_7, %add3A_62 : i32
      "tpu.region"() ({
        %run_scoped3A_64 = tpu.sem_alloc : memref<!tpu.dma_semaphore, #tpu.memory_space<semaphore_mem>>
        %dma_start3A_65 = arith.constant 0 : i32
        %dma_start3A_66 = tpu.memref_slice %arg11[%add3A_63, %dma_start3A_65] : memref<10240x128xf32, #tpu.memory_space<vmem_shared>> -> memref<128x128xf32, #tpu.memory_space<vmem_shared>>
        %dma_start3A_67 = arith.constant 0 : i32
        %dma_start3A_68 = tpu.memref_slice %arg11[%add3A_63, %dma_start3A_67] : memref<10240x128xf32, #tpu.memory_space<vmem_shared>> -> memref<128x128xf32, #tpu.memory_space<vmem_shared>>
        tpu.enqueue_dma source(%arg9 : memref<128x128xf32, #tpu.memory_space<vmem>>) target(%dma_start3A_68 : memref<128x128xf32, #tpu.memory_space<vmem_shared>>) target_semaphore(%run_scoped3A_64 : memref<!tpu.dma_semaphore, #tpu.memory_space<semaphore_mem>>)
        %dma_wait3A_69 = arith.constant 0 : i32
        %dma_wait3A_70 = tpu.memref_slice %arg11[%add3A_63, %dma_wait3A_69] : memref<10240x128xf32, #tpu.memory_space<vmem_shared>> -> memref<128x128xf32, #tpu.memory_space<vmem_shared>>
        %dma_wait3A_71 = arith.constant 0 : i32
        %dma_wait3A_72 = tpu.memref_slice %arg11[%add3A_63, %dma_wait3A_71] : memref<10240x128xf32, #tpu.memory_space<vmem_shared>> -> memref<128x128xf32, #tpu.memory_space<vmem_shared>>
        tpu.wait_dma2 semaphore(%run_scoped3A_64 : memref<!tpu.dma_semaphore, #tpu.memory_space<semaphore_mem>>) src(%arg9 : memref<128x128xf32, #tpu.memory_space<vmem>>) dst(%dma_wait3A_72 : memref<128x128xf32, #tpu.memory_space<vmem_shared>>)
        tpu.yield
      }) : () -> ()
    }
    %scan3A_12 = arith.constant 5 : i32
    %barrier3A = arith.constant 0 : index
    tpu.barrier barrier_id(%barrier3A)
    %run_scoped3A = arith.constant 0 : i32
    "tpu.region"() ({
      %run_scoped3A_58 = tpu.sem_alloc : memref<!tpu.dma_semaphore, #tpu.memory_space<semaphore_mem>>
      %dma_start3A_59 = arith.constant 0 : i32
      %dma_start3A_60 = arith.constant 0 : i32
      %dma_start3A_61 = tpu.memref_slice %arg3[%add3A, %dma_start3A_59, %dma_start3A_60] : memref<32x80x128xi32, #tpu.memory_space<hbm>> -> memref<1x80x128xi32, #tpu.memory_space<hbm>>
      %dma_start3A_62 = tpu.memref_squeeze %dma_start3A_61 : memref<1x80x128xi32, #tpu.memory_space<hbm>> -> memref<80x128xi32, #tpu.memory_space<hbm>>
      %dma_start3A_63 = arith.constant 0 : i32
      %dma_start3A_64 = tpu.memref_slice %dma_start3A_62[%run_scoped3A, %dma_start3A_63] : memref<80x128xi32, #tpu.memory_space<hbm>> -> memref<1x128xi32, #tpu.memory_space<hbm>>
      %dma_start3A_65 = tpu.memref_squeeze %dma_start3A_64 : memref<1x128xi32, #tpu.memory_space<hbm>> -> memref<128xi32, #tpu.memory_space<hbm>>
      %dma_start3A_66 = arith.constant 0 : i32
      %dma_start3A_67 = arith.constant 0 : i32
      %dma_start3A_68 = tpu.memref_slice %arg3[%add3A, %dma_start3A_66, %dma_start3A_67] : memref<32x80x128xi32, #tpu.memory_space<hbm>> -> memref<1x80x128xi32, #tpu.memory_space<hbm>>
      %dma_start3A_69 = tpu.memref_squeeze %dma_start3A_68 : memref<1x80x128xi32, #tpu.memory_space<hbm>> -> memref<80x128xi32, #tpu.memory_space<hbm>>
      %dma_start3A_70 = arith.constant 0 : i32
      %dma_start3A_71 = tpu.memref_slice %dma_start3A_69[%run_scoped3A, %dma_start3A_70] : memref<80x128xi32, #tpu.memory_space<hbm>> -> memref<1x128xi32, #tpu.memory_space<hbm>>
      %dma_start3A_72 = tpu.memref_squeeze %dma_start3A_71 : memref<1x128xi32, #tpu.memory_space<hbm>> -> memref<128xi32, #tpu.memory_space<hbm>>
      tpu.enqueue_dma source(%dma_start3A_72 : memref<128xi32, #tpu.memory_space<hbm>>) target(%arg7 : memref<128xi32, #tpu.memory_space<vmem>>) target_semaphore(%run_scoped3A_58 : memref<!tpu.dma_semaphore, #tpu.memory_space<semaphore_mem>>)
      %dma_wait3A_73 = arith.constant 0 : i32
      %dma_wait3A_74 = arith.constant 0 : i32
      %dma_wait3A_75 = tpu.memref_slice %arg3[%add3A, %dma_wait3A_73, %dma_wait3A_74] : memref<32x80x128xi32, #tpu.memory_space<hbm>> -> memref<1x80x128xi32, #tpu.memory_space<hbm>>
      %dma_wait3A_76 = tpu.memref_squeeze %dma_wait3A_75 : memref<1x80x128xi32, #tpu.memory_space<hbm>> -> memref<80x128xi32, #tpu.memory_space<hbm>>
      %dma_wait3A_77 = arith.constant 0 : i32
      %dma_wait3A_78 = tpu.memref_slice %dma_wait3A_76[%run_scoped3A, %dma_wait3A_77] : memref<80x128xi32, #tpu.memory_space<hbm>> -> memref<1x128xi32, #tpu.memory_space<hbm>>
      %dma_wait3A_79 = tpu.memref_squeeze %dma_wait3A_78 : memref<1x128xi32, #tpu.memory_space<hbm>> -> memref<128xi32, #tpu.memory_space<hbm>>
      %dma_wait3A_80 = arith.constant 0 : i32
      %dma_wait3A_81 = arith.constant 0 : i32
      %dma_wait3A_82 = tpu.memref_slice %arg3[%add3A, %dma_wait3A_80, %dma_wait3A_81] : memref<32x80x128xi32, #tpu.memory_space<hbm>> -> memref<1x80x128xi32, #tpu.memory_space<hbm>>
      %dma_wait3A_83 = tpu.memref_squeeze %dma_wait3A_82 : memref<1x80x128xi32, #tpu.memory_space<hbm>> -> memref<80x128xi32, #tpu.memory_space<hbm>>
      %dma_wait3A_84 = arith.constant 0 : i32
      %dma_wait3A_85 = tpu.memref_slice %dma_wait3A_83[%run_scoped3A, %dma_wait3A_84] : memref<80x128xi32, #tpu.memory_space<hbm>> -> memref<1x128xi32, #tpu.memory_space<hbm>>
      %dma_wait3A_86 = tpu.memref_squeeze %dma_wait3A_85 : memref<1x128xi32, #tpu.memory_space<hbm>> -> memref<128xi32, #tpu.memory_space<hbm>>
      tpu.wait_dma2 semaphore(%run_scoped3A_58 : memref<!tpu.dma_semaphore, #tpu.memory_space<semaphore_mem>>) src(%dma_wait3A_86 : memref<128xi32, #tpu.memory_space<hbm>>) dst(%arg7 : memref<128xi32, #tpu.memory_space<vmem>>)
      tpu.yield
    }) : () -> ()
    %dma_start3A = arith.constant 0 : i32
    %dma_start3A_13 = arith.constant 0 : i32
    %dma_start3A_14 = tpu.memref_slice %arg2[%dma_start3A, %dma_start3A_13] : memref<10000x128xf32, #tpu.memory_space<hbm>> -> memref<10000x128xf32, #tpu.memory_space<hbm>>
    tpu.enqueue_indirect_dma source(%dma_start3A_14 : memref<10000x128xf32, #tpu.memory_space<hbm>>) target(%arg9 : memref<128x128xf32, #tpu.memory_space<vmem>>) offsets(%arg7 : memref<128xi32, #tpu.memory_space<vmem>>) semaphore(%arg12 : memref<!tpu.dma_semaphore, #tpu.memory_space<semaphore_mem>>)
    %run_scoped3A_15 = arith.constant 1 : i32
    "tpu.region"() ({
      %run_scoped3A_58 = tpu.sem_alloc : memref<!tpu.dma_semaphore, #tpu.memory_space<semaphore_mem>>
      %dma_start3A_59 = arith.constant 0 : i32
      %dma_start3A_60 = arith.constant 0 : i32
      %dma_start3A_61 = tpu.memref_slice %arg3[%add3A, %dma_start3A_59, %dma_start3A_60] : memref<32x80x128xi32, #tpu.memory_space<hbm>> -> memref<1x80x128xi32, #tpu.memory_space<hbm>>
      %dma_start3A_62 = tpu.memref_squeeze %dma_start3A_61 : memref<1x80x128xi32, #tpu.memory_space<hbm>> -> memref<80x128xi32, #tpu.memory_space<hbm>>
      %dma_start3A_63 = arith.constant 0 : i32
      %dma_start3A_64 = tpu.memref_slice %dma_start3A_62[%run_scoped3A_15, %dma_start3A_63] : memref<80x128xi32, #tpu.memory_space<hbm>> -> memref<1x128xi32, #tpu.memory_space<hbm>>
      %dma_start3A_65 = tpu.memref_squeeze %dma_start3A_64 : memref<1x128xi32, #tpu.memory_space<hbm>> -> memref<128xi32, #tpu.memory_space<hbm>>
      %dma_start3A_66 = arith.constant 0 : i32
      %dma_start3A_67 = arith.constant 0 : i32
      %dma_start3A_68 = tpu.memref_slice %arg3[%add3A, %dma_start3A_66, %dma_start3A_67] : memref<32x80x128xi32, #tpu.memory_space<hbm>> -> memref<1x80x128xi32, #tpu.memory_space<hbm>>
      %dma_start3A_69 = tpu.memref_squeeze %dma_start3A_68 : memref<1x80x128xi32, #tpu.memory_space<hbm>> -> memref<80x128xi32, #tpu.memory_space<hbm>>
      %dma_start3A_70 = arith.constant 0 : i32
      %dma_start3A_71 = tpu.memref_slice %dma_start3A_69[%run_scoped3A_15, %dma_start3A_70] : memref<80x128xi32, #tpu.memory_space<hbm>> -> memref<1x128xi32, #tpu.memory_space<hbm>>
      %dma_start3A_72 = tpu.memref_squeeze %dma_start3A_71 : memref<1x128xi32, #tpu.memory_space<hbm>> -> memref<128xi32, #tpu.memory_space<hbm>>
      tpu.enqueue_dma source(%dma_start3A_72 : memref<128xi32, #tpu.memory_space<hbm>>) target(%arg8 : memref<128xi32, #tpu.memory_space<vmem>>) target_semaphore(%run_scoped3A_58 : memref<!tpu.dma_semaphore, #tpu.memory_space<semaphore_mem>>)
      %dma_wait3A_73 = arith.constant 0 : i32
      %dma_wait3A_74 = arith.constant 0 : i32
      %dma_wait3A_75 = tpu.memref_slice %arg3[%add3A, %dma_wait3A_73, %dma_wait3A_74] : memref<32x80x128xi32, #tpu.memory_space<hbm>> -> memref<1x80x128xi32, #tpu.memory_space<hbm>>
      %dma_wait3A_76 = tpu.memref_squeeze %dma_wait3A_75 : memref<1x80x128xi32, #tpu.memory_space<hbm>> -> memref<80x128xi32, #tpu.memory_space<hbm>>
      %dma_wait3A_77 = arith.constant 0 : i32
      %dma_wait3A_78 = tpu.memref_slice %dma_wait3A_76[%run_scoped3A_15, %dma_wait3A_77] : memref<80x128xi32, #tpu.memory_space<hbm>> -> memref<1x128xi32, #tpu.memory_space<hbm>>
      %dma_wait3A_79 = tpu.memref_squeeze %dma_wait3A_78 : memref<1x128xi32, #tpu.memory_space<hbm>> -> memref<128xi32, #tpu.memory_space<hbm>>
      %dma_wait3A_80 = arith.constant 0 : i32
      %dma_wait3A_81 = arith.constant 0 : i32
      %dma_wait3A_82 = tpu.memref_slice %arg3[%add3A, %dma_wait3A_80, %dma_wait3A_81] : memref<32x80x128xi32, #tpu.memory_space<hbm>> -> memref<1x80x128xi32, #tpu.memory_space<hbm>>
      %dma_wait3A_83 = tpu.memref_squeeze %dma_wait3A_82 : memref<1x80x128xi32, #tpu.memory_space<hbm>> -> memref<80x128xi32, #tpu.memory_space<hbm>>
      %dma_wait3A_84 = arith.constant 0 : i32
      %dma_wait3A_85 = tpu.memref_slice %dma_wait3A_83[%run_scoped3A_15, %dma_wait3A_84] : memref<80x128xi32, #tpu.memory_space<hbm>> -> memref<1x128xi32, #tpu.memory_space<hbm>>
      %dma_wait3A_86 = tpu.memref_squeeze %dma_wait3A_85 : memref<1x128xi32, #tpu.memory_space<hbm>> -> memref<128xi32, #tpu.memory_space<hbm>>
      tpu.wait_dma2 semaphore(%run_scoped3A_58 : memref<!tpu.dma_semaphore, #tpu.memory_space<semaphore_mem>>) src(%dma_wait3A_86 : memref<128xi32, #tpu.memory_space<hbm>>) dst(%arg8 : memref<128xi32, #tpu.memory_space<vmem>>)
      tpu.yield
    }) : () -> ()
    %dma_start3A_16 = arith.constant 0 : i32
    %dma_start3A_17 = arith.constant 0 : i32
    %dma_start3A_18 = tpu.memref_slice %arg2[%dma_start3A_16, %dma_start3A_17] : memref<10000x128xf32, #tpu.memory_space<hbm>> -> memref<10000x128xf32, #tpu.memory_space<hbm>>
    tpu.enqueue_indirect_dma source(%dma_start3A_18 : memref<10000x128xf32, #tpu.memory_space<hbm>>) target(%arg10 : memref<128x128xf32, #tpu.memory_space<vmem>>) offsets(%arg8 : memref<128xi32, #tpu.memory_space<vmem>>) semaphore(%arg13 : memref<!tpu.dma_semaphore, #tpu.memory_space<semaphore_mem>>)
    %dma_wait3A = arith.constant 0 : i32
    %dma_wait3A_19 = arith.constant 0 : i32
    %dma_wait3A_20 = tpu.memref_slice %arg2[%dma_wait3A, %dma_wait3A_19] : memref<10000x128xf32, #tpu.memory_space<hbm>> -> memref<10000x128xf32, #tpu.memory_space<hbm>>
    tpu.wait_indirect_dma semaphore(%arg12 : memref<!tpu.dma_semaphore, #tpu.memory_space<semaphore_mem>>) src(%dma_wait3A_20 : memref<10000x128xf32, #tpu.memory_space<hbm>>) dst(%arg9 : memref<128x128xf32, #tpu.memory_space<vmem>>)
    %dma_start3A_21 = arith.constant 0 : i32
    %dma_start3A_22 = arith.constant 0 : i32
    %dma_start3A_23 = tpu.memref_slice %arg6[%dma_start3A_21, %dma_start3A_22] : memref<80x128xi32, #tpu.memory_space<vmem>> -> memref<1x128xi32, #tpu.memory_space<vmem>>
    %dma_start3A_24 = tpu.memref_squeeze %dma_start3A_23 : memref<1x128xi32, #tpu.memory_space<vmem>> -> memref<128xi32, #tpu.memory_space<vmem>>
    %dma_start3A_25 = arith.constant 0 : i32
    %dma_start3A_26 = arith.constant 0 : i32
    %dma_start3A_27 = tpu.memref_slice %arg11[%dma_start3A_25, %dma_start3A_26] : memref<10240x128xf32, #tpu.memory_space<vmem_shared>> -> memref<10240x128xf32, #tpu.memory_space<vmem_shared>>
    tpu.enqueue_indirect_dma source(%arg9 : memref<128x128xf32, #tpu.memory_space<vmem>>) target(%dma_start3A_27 : memref<10240x128xf32, #tpu.memory_space<vmem_shared>>) offsets(%dma_start3A_24 : memref<128xi32, #tpu.memory_space<vmem>>) semaphore(%arg14 : memref<!tpu.dma_semaphore, #tpu.memory_space<semaphore_mem>>) {add = true}
    %scan3A_28 = arith.constant 0 : i32
    %scan3A_29 = arith.constant 39 : i32
    %scan3A_30 = arith.addi %scan3A_28, %scan3A_29 : i32
    %scan3A_31 = arith.constant 1 : i32
    scf.for %scan3A_58 = %scan3A_28 to %scan3A_30 step %scan3A_31  : i32 {
      %mul3A_59 = arith.constant 1 : i32
      %mul3A_60 = arith.muli %scan3A_58, %mul3A_59 : i32
      %add3A_61 = arith.constant 0 : i32
      %add3A_62 = arith.addi %add3A_61, %mul3A_60 : i32
      %mul3A_63 = arith.constant 2 : i32
      %mul3A_64 = arith.muli %mul3A_63, %add3A_62 : i32
      %add3A_65 = arith.constant 2 : i32
      %add3A_66 = arith.addi %add3A_65, %mul3A_64 : i32
      %sub3A = arith.constant 2 : i32
      %sub3A_67 = arith.subi %add3A_66, %sub3A : i32
      %dma_wait3A_68 = arith.constant 0 : i32
      %dma_wait3A_69 = tpu.memref_slice %arg6[%sub3A_67, %dma_wait3A_68] : memref<80x128xi32, #tpu.memory_space<vmem>> -> memref<1x128xi32, #tpu.memory_space<vmem>>
      %dma_wait3A_70 = tpu.memref_squeeze %dma_wait3A_69 : memref<1x128xi32, #tpu.memory_space<vmem>> -> memref<128xi32, #tpu.memory_space<vmem>>
      %dma_wait3A_71 = arith.constant 0 : i32
      %dma_wait3A_72 = arith.constant 0 : i32
      %dma_wait3A_73 = tpu.memref_slice %arg11[%dma_wait3A_71, %dma_wait3A_72] : memref<10240x128xf32, #tpu.memory_space<vmem_shared>> -> memref<10240x128xf32, #tpu.memory_space<vmem_shared>>
      tpu.wait_indirect_dma semaphore(%arg14 : memref<!tpu.dma_semaphore, #tpu.memory_space<semaphore_mem>>) src(%arg9 : memref<128x128xf32, #tpu.memory_space<vmem>>) dst(%dma_wait3A_73 : memref<10240x128xf32, #tpu.memory_space<vmem_shared>>)
      "tpu.region"() ({
        %run_scoped3A_110 = tpu.sem_alloc : memref<!tpu.dma_semaphore, #tpu.memory_space<semaphore_mem>>
        %dma_start3A_111 = arith.constant 0 : i32
        %dma_start3A_112 = arith.constant 0 : i32
        %dma_start3A_113 = tpu.memref_slice %arg3[%add3A, %dma_start3A_111, %dma_start3A_112] : memref<32x80x128xi32, #tpu.memory_space<hbm>> -> memref<1x80x128xi32, #tpu.memory_space<hbm>>
        %dma_start3A_114 = tpu.memref_squeeze %dma_start3A_113 : memref<1x80x128xi32, #tpu.memory_space<hbm>> -> memref<80x128xi32, #tpu.memory_space<hbm>>
        %dma_start3A_115 = arith.constant 0 : i32
        %dma_start3A_116 = tpu.memref_slice %dma_start3A_114[%add3A_66, %dma_start3A_115] : memref<80x128xi32, #tpu.memory_space<hbm>> -> memref<1x128xi32, #tpu.memory_space<hbm>>
        %dma_start3A_117 = tpu.memref_squeeze %dma_start3A_116 : memref<1x128xi32, #tpu.memory_space<hbm>> -> memref<128xi32, #tpu.memory_space<hbm>>
        %dma_start3A_118 = arith.constant 0 : i32
        %dma_start3A_119 = arith.constant 0 : i32
        %dma_start3A_120 = tpu.memref_slice %arg3[%add3A, %dma_start3A_118, %dma_start3A_119] : memref<32x80x128xi32, #tpu.memory_space<hbm>> -> memref<1x80x128xi32, #tpu.memory_space<hbm>>
        %dma_start3A_121 = tpu.memref_squeeze %dma_start3A_120 : memref<1x80x128xi32, #tpu.memory_space<hbm>> -> memref<80x128xi32, #tpu.memory_space<hbm>>
        %dma_start3A_122 = arith.constant 0 : i32
        %dma_start3A_123 = tpu.memref_slice %dma_start3A_121[%add3A_66, %dma_start3A_122] : memref<80x128xi32, #tpu.memory_space<hbm>> -> memref<1x128xi32, #tpu.memory_space<hbm>>
        %dma_start3A_124 = tpu.memref_squeeze %dma_start3A_123 : memref<1x128xi32, #tpu.memory_space<hbm>> -> memref<128xi32, #tpu.memory_space<hbm>>
        tpu.enqueue_dma source(%dma_start3A_124 : memref<128xi32, #tpu.memory_space<hbm>>) target(%arg7 : memref<128xi32, #tpu.memory_space<vmem>>) target_semaphore(%run_scoped3A_110 : memref<!tpu.dma_semaphore, #tpu.memory_space<semaphore_mem>>)
        %dma_wait3A_125 = arith.constant 0 : i32
        %dma_wait3A_126 = arith.constant 0 : i32
        %dma_wait3A_127 = tpu.memref_slice %arg3[%add3A, %dma_wait3A_125, %dma_wait3A_126] : memref<32x80x128xi32, #tpu.memory_space<hbm>> -> memref<1x80x128xi32, #tpu.memory_space<hbm>>
        %dma_wait3A_128 = tpu.memref_squeeze %dma_wait3A_127 : memref<1x80x128xi32, #tpu.memory_space<hbm>> -> memref<80x128xi32, #tpu.memory_space<hbm>>
        %dma_wait3A_129 = arith.constant 0 : i32
        %dma_wait3A_130 = tpu.memref_slice %dma_wait3A_128[%add3A_66, %dma_wait3A_129] : memref<80x128xi32, #tpu.memory_space<hbm>> -> memref<1x128xi32, #tpu.memory_space<hbm>>
        %dma_wait3A_131 = tpu.memref_squeeze %dma_wait3A_130 : memref<1x128xi32, #tpu.memory_space<hbm>> -> memref<128xi32, #tpu.memory_space<hbm>>
        %dma_wait3A_132 = arith.constant 0 : i32
        %dma_wait3A_133 = arith.constant 0 : i32
        %dma_wait3A_134 = tpu.memref_slice %arg3[%add3A, %dma_wait3A_132, %dma_wait3A_133] : memref<32x80x128xi32, #tpu.memory_space<hbm>> -> memref<1x80x128xi32, #tpu.memory_space<hbm>>
        %dma_wait3A_135 = tpu.memref_squeeze %dma_wait3A_134 : memref<1x80x128xi32, #tpu.memory_space<hbm>> -> memref<80x128xi32, #tpu.memory_space<hbm>>
        %dma_wait3A_136 = arith.constant 0 : i32
        %dma_wait3A_137 = tpu.memref_slice %dma_wait3A_135[%add3A_66, %dma_wait3A_136] : memref<80x128xi32, #tpu.memory_space<hbm>> -> memref<1x128xi32, #tpu.memory_space<hbm>>
        %dma_wait3A_138 = tpu.memref_squeeze %dma_wait3A_137 : memref<1x128xi32, #tpu.memory_space<hbm>> -> memref<128xi32, #tpu.memory_space<hbm>>
        tpu.wait_dma2 semaphore(%run_scoped3A_110 : memref<!tpu.dma_semaphore, #tpu.memory_space<semaphore_mem>>) src(%dma_wait3A_138 : memref<128xi32, #tpu.memory_space<hbm>>) dst(%arg7 : memref<128xi32, #tpu.memory_space<vmem>>)
        tpu.yield
      }) : () -> ()
      %dma_start3A_74 = arith.constant 0 : i32
      %dma_start3A_75 = arith.constant 0 : i32
      %dma_start3A_76 = tpu.memref_slice %arg2[%dma_start3A_74, %dma_start3A_75] : memref<10000x128xf32, #tpu.memory_space<hbm>> -> memref<10000x128xf32, #tpu.memory_space<hbm>>
      tpu.enqueue_indirect_dma source(%dma_start3A_76 : memref<10000x128xf32, #tpu.memory_space<hbm>>) target(%arg9 : memref<128x128xf32, #tpu.memory_space<vmem>>) offsets(%arg7 : memref<128xi32, #tpu.memory_space<vmem>>) semaphore(%arg12 : memref<!tpu.dma_semaphore, #tpu.memory_space<semaphore_mem>>)
      %dma_wait3A_77 = arith.constant 0 : i32
      %dma_wait3A_78 = arith.constant 0 : i32
      %dma_wait3A_79 = tpu.memref_slice %arg2[%dma_wait3A_77, %dma_wait3A_78] : memref<10000x128xf32, #tpu.memory_space<hbm>> -> memref<10000x128xf32, #tpu.memory_space<hbm>>
      tpu.wait_indirect_dma semaphore(%arg13 : memref<!tpu.dma_semaphore, #tpu.memory_space<semaphore_mem>>) src(%dma_wait3A_79 : memref<10000x128xf32, #tpu.memory_space<hbm>>) dst(%arg10 : memref<128x128xf32, #tpu.memory_space<vmem>>)
      %sub3A_80 = arith.constant 1 : i32
      %sub3A_81 = arith.subi %add3A_66, %sub3A_80 : i32
      %dma_start3A_82 = arith.constant 0 : i32
      %dma_start3A_83 = tpu.memref_slice %arg6[%sub3A_81, %dma_start3A_82] : memref<80x128xi32, #tpu.memory_space<vmem>> -> memref<1x128xi32, #tpu.memory_space<vmem>>
      %dma_start3A_84 = tpu.memref_squeeze %dma_start3A_83 : memref<1x128xi32, #tpu.memory_space<vmem>> -> memref<128xi32, #tpu.memory_space<vmem>>
      %dma_start3A_85 = arith.constant 0 : i32
      %dma_start3A_86 = arith.constant 0 : i32
      %dma_start3A_87 = tpu.memref_slice %arg11[%dma_start3A_85, %dma_start3A_86] : memref<10240x128xf32, #tpu.memory_space<vmem_shared>> -> memref<10240x128xf32, #tpu.memory_space<vmem_shared>>
      tpu.enqueue_indirect_dma source(%arg10 : memref<128x128xf32, #tpu.memory_space<vmem>>) target(%dma_start3A_87 : memref<10240x128xf32, #tpu.memory_space<vmem_shared>>) offsets(%dma_start3A_84 : memref<128xi32, #tpu.memory_space<vmem>>) semaphore(%arg15 : memref<!tpu.dma_semaphore, #tpu.memory_space<semaphore_mem>>) {add = true}
      %sub3A_88 = arith.constant 1 : i32
      %sub3A_89 = arith.subi %add3A_66, %sub3A_88 : i32
      %dma_wait3A_90 = arith.constant 0 : i32
      %dma_wait3A_91 = tpu.memref_slice %arg6[%sub3A_89, %dma_wait3A_90] : memref<80x128xi32, #tpu.memory_space<vmem>> -> memref<1x128xi32, #tpu.memory_space<vmem>>
      %dma_wait3A_92 = tpu.memref_squeeze %dma_wait3A_91 : memref<1x128xi32, #tpu.memory_space<vmem>> -> memref<128xi32, #tpu.memory_space<vmem>>
      %dma_wait3A_93 = arith.constant 0 : i32
      %dma_wait3A_94 = arith.constant 0 : i32
      %dma_wait3A_95 = tpu.memref_slice %arg11[%dma_wait3A_93, %dma_wait3A_94] : memref<10240x128xf32, #tpu.memory_space<vmem_shared>> -> memref<10240x128xf32, #tpu.memory_space<vmem_shared>>
      tpu.wait_indirect_dma semaphore(%arg15 : memref<!tpu.dma_semaphore, #tpu.memory_space<semaphore_mem>>) src(%arg10 : memref<128x128xf32, #tpu.memory_space<vmem>>) dst(%dma_wait3A_95 : memref<10240x128xf32, #tpu.memory_space<vmem_shared>>)
      %add3A_96 = arith.constant 1 : i32
      %add3A_97 = arith.addi %add3A_66, %add3A_96 : i32
      "tpu.region"() ({
        %run_scoped3A_110 = tpu.sem_alloc : memref<!tpu.dma_semaphore, #tpu.memory_space<semaphore_mem>>
        %dma_start3A_111 = arith.constant 0 : i32
        %dma_start3A_112 = arith.constant 0 : i32
        %dma_start3A_113 = tpu.memref_slice %arg3[%add3A, %dma_start3A_111, %dma_start3A_112] : memref<32x80x128xi32, #tpu.memory_space<hbm>> -> memref<1x80x128xi32, #tpu.memory_space<hbm>>
        %dma_start3A_114 = tpu.memref_squeeze %dma_start3A_113 : memref<1x80x128xi32, #tpu.memory_space<hbm>> -> memref<80x128xi32, #tpu.memory_space<hbm>>
        %dma_start3A_115 = arith.constant 0 : i32
        %dma_start3A_116 = tpu.memref_slice %dma_start3A_114[%add3A_97, %dma_start3A_115] : memref<80x128xi32, #tpu.memory_space<hbm>> -> memref<1x128xi32, #tpu.memory_space<hbm>>
        %dma_start3A_117 = tpu.memref_squeeze %dma_start3A_116 : memref<1x128xi32, #tpu.memory_space<hbm>> -> memref<128xi32, #tpu.memory_space<hbm>>
        %dma_start3A_118 = arith.constant 0 : i32
        %dma_start3A_119 = arith.constant 0 : i32
        %dma_start3A_120 = tpu.memref_slice %arg3[%add3A, %dma_start3A_118, %dma_start3A_119] : memref<32x80x128xi32, #tpu.memory_space<hbm>> -> memref<1x80x128xi32, #tpu.memory_space<hbm>>
        %dma_start3A_121 = tpu.memref_squeeze %dma_start3A_120 : memref<1x80x128xi32, #tpu.memory_space<hbm>> -> memref<80x128xi32, #tpu.memory_space<hbm>>
        %dma_start3A_122 = arith.constant 0 : i32
        %dma_start3A_123 = tpu.memref_slice %dma_start3A_121[%add3A_97, %dma_start3A_122] : memref<80x128xi32, #tpu.memory_space<hbm>> -> memref<1x128xi32, #tpu.memory_space<hbm>>
        %dma_start3A_124 = tpu.memref_squeeze %dma_start3A_123 : memref<1x128xi32, #tpu.memory_space<hbm>> -> memref<128xi32, #tpu.memory_space<hbm>>
        tpu.enqueue_dma source(%dma_start3A_124 : memref<128xi32, #tpu.memory_space<hbm>>) target(%arg8 : memref<128xi32, #tpu.memory_space<vmem>>) target_semaphore(%run_scoped3A_110 : memref<!tpu.dma_semaphore, #tpu.memory_space<semaphore_mem>>)
        %dma_wait3A_125 = arith.constant 0 : i32
        %dma_wait3A_126 = arith.constant 0 : i32
        %dma_wait3A_127 = tpu.memref_slice %arg3[%add3A, %dma_wait3A_125, %dma_wait3A_126] : memref<32x80x128xi32, #tpu.memory_space<hbm>> -> memref<1x80x128xi32, #tpu.memory_space<hbm>>
        %dma_wait3A_128 = tpu.memref_squeeze %dma_wait3A_127 : memref<1x80x128xi32, #tpu.memory_space<hbm>> -> memref<80x128xi32, #tpu.memory_space<hbm>>
        %dma_wait3A_129 = arith.constant 0 : i32
        %dma_wait3A_130 = tpu.memref_slice %dma_wait3A_128[%add3A_97, %dma_wait3A_129] : memref<80x128xi32, #tpu.memory_space<hbm>> -> memref<1x128xi32, #tpu.memory_space<hbm>>
        %dma_wait3A_131 = tpu.memref_squeeze %dma_wait3A_130 : memref<1x128xi32, #tpu.memory_space<hbm>> -> memref<128xi32, #tpu.memory_space<hbm>>
        %dma_wait3A_132 = arith.constant 0 : i32
        %dma_wait3A_133 = arith.constant 0 : i32
        %dma_wait3A_134 = tpu.memref_slice %arg3[%add3A, %dma_wait3A_132, %dma_wait3A_133] : memref<32x80x128xi32, #tpu.memory_space<hbm>> -> memref<1x80x128xi32, #tpu.memory_space<hbm>>
        %dma_wait3A_135 = tpu.memref_squeeze %dma_wait3A_134 : memref<1x80x128xi32, #tpu.memory_space<hbm>> -> memref<80x128xi32, #tpu.memory_space<hbm>>
        %dma_wait3A_136 = arith.constant 0 : i32
        %dma_wait3A_137 = tpu.memref_slice %dma_wait3A_135[%add3A_97, %dma_wait3A_136] : memref<80x128xi32, #tpu.memory_space<hbm>> -> memref<1x128xi32, #tpu.memory_space<hbm>>
        %dma_wait3A_138 = tpu.memref_squeeze %dma_wait3A_137 : memref<1x128xi32, #tpu.memory_space<hbm>> -> memref<128xi32, #tpu.memory_space<hbm>>
        tpu.wait_dma2 semaphore(%run_scoped3A_110 : memref<!tpu.dma_semaphore, #tpu.memory_space<semaphore_mem>>) src(%dma_wait3A_138 : memref<128xi32, #tpu.memory_space<hbm>>) dst(%arg8 : memref<128xi32, #tpu.memory_space<vmem>>)
        tpu.yield
      }) : () -> ()
      %dma_start3A_98 = arith.constant 0 : i32
      %dma_start3A_99 = arith.constant 0 : i32
      %dma_start3A_100 = tpu.memref_slice %arg2[%dma_start3A_98, %dma_start3A_99] : memref<10000x128xf32, #tpu.memory_space<hbm>> -> memref<10000x128xf32, #tpu.memory_space<hbm>>
      tpu.enqueue_indirect_dma source(%dma_start3A_100 : memref<10000x128xf32, #tpu.memory_space<hbm>>) target(%arg10 : memref<128x128xf32, #tpu.memory_space<vmem>>) offsets(%arg8 : memref<128xi32, #tpu.memory_space<vmem>>) semaphore(%arg13 : memref<!tpu.dma_semaphore, #tpu.memory_space<semaphore_mem>>)
      %dma_wait3A_101 = arith.constant 0 : i32
      %dma_wait3A_102 = arith.constant 0 : i32
      %dma_wait3A_103 = tpu.memref_slice %arg2[%dma_wait3A_101, %dma_wait3A_102] : memref<10000x128xf32, #tpu.memory_space<hbm>> -> memref<10000x128xf32, #tpu.memory_space<hbm>>
      tpu.wait_indirect_dma semaphore(%arg12 : memref<!tpu.dma_semaphore, #tpu.memory_space<semaphore_mem>>) src(%dma_wait3A_103 : memref<10000x128xf32, #tpu.memory_space<hbm>>) dst(%arg9 : memref<128x128xf32, #tpu.memory_space<vmem>>)
      %dma_start3A_104 = arith.constant 0 : i32
      %dma_start3A_105 = tpu.memref_slice %arg6[%add3A_66, %dma_start3A_104] : memref<80x128xi32, #tpu.memory_space<vmem>> -> memref<1x128xi32, #tpu.memory_space<vmem>>
      %dma_start3A_106 = tpu.memref_squeeze %dma_start3A_105 : memref<1x128xi32, #tpu.memory_space<vmem>> -> memref<128xi32, #tpu.memory_space<vmem>>
      %dma_start3A_107 = arith.constant 0 : i32
      %dma_start3A_108 = arith.constant 0 : i32
      %dma_start3A_109 = tpu.memref_slice %arg11[%dma_start3A_107, %dma_start3A_108] : memref<10240x128xf32, #tpu.memory_space<vmem_shared>> -> memref<10240x128xf32, #tpu.memory_space<vmem_shared>>
      tpu.enqueue_indirect_dma source(%arg9 : memref<128x128xf32, #tpu.memory_space<vmem>>) target(%dma_start3A_109 : memref<10240x128xf32, #tpu.memory_space<vmem_shared>>) offsets(%dma_start3A_106 : memref<128xi32, #tpu.memory_space<vmem>>) semaphore(%arg14 : memref<!tpu.dma_semaphore, #tpu.memory_space<semaphore_mem>>) {add = true}
    }
    %scan3A_32 = arith.constant 39 : i32
    %dma_wait3A_33 = arith.constant 78 : i32
    %dma_wait3A_34 = arith.constant 0 : i32
    %dma_wait3A_35 = tpu.memref_slice %arg6[%dma_wait3A_33, %dma_wait3A_34] : memref<80x128xi32, #tpu.memory_space<vmem>> -> memref<1x128xi32, #tpu.memory_space<vmem>>
    %dma_wait3A_36 = tpu.memref_squeeze %dma_wait3A_35 : memref<1x128xi32, #tpu.memory_space<vmem>> -> memref<128xi32, #tpu.memory_space<vmem>>
    %dma_wait3A_37 = arith.constant 0 : i32
    %dma_wait3A_38 = arith.constant 0 : i32
    %dma_wait3A_39 = tpu.memref_slice %arg11[%dma_wait3A_37, %dma_wait3A_38] : memref<10240x128xf32, #tpu.memory_space<vmem_shared>> -> memref<10240x128xf32, #tpu.memory_space<vmem_shared>>
    tpu.wait_indirect_dma semaphore(%arg14 : memref<!tpu.dma_semaphore, #tpu.memory_space<semaphore_mem>>) src(%arg9 : memref<128x128xf32, #tpu.memory_space<vmem>>) dst(%dma_wait3A_39 : memref<10240x128xf32, #tpu.memory_space<vmem_shared>>)
    %dma_wait3A_40 = arith.constant 0 : i32
    %dma_wait3A_41 = arith.constant 0 : i32
    %dma_wait3A_42 = tpu.memref_slice %arg2[%dma_wait3A_40, %dma_wait3A_41] : memref<10000x128xf32, #tpu.memory_space<hbm>> -> memref<10000x128xf32, #tpu.memory_space<hbm>>
    tpu.wait_indirect_dma semaphore(%arg13 : memref<!tpu.dma_semaphore, #tpu.memory_space<semaphore_mem>>) src(%dma_wait3A_42 : memref<10000x128xf32, #tpu.memory_space<hbm>>) dst(%arg10 : memref<128x128xf32, #tpu.memory_space<vmem>>)
    %dma_start3A_43 = arith.constant 79 : i32
    %dma_start3A_44 = arith.constant 0 : i32
    %dma_start3A_45 = tpu.memref_slice %arg6[%dma_start3A_43, %dma_start3A_44] : memref<80x128xi32, #tpu.memory_space<vmem>> -> memref<1x128xi32, #tpu.memory_space<vmem>>
    %dma_start3A_46 = tpu.memref_squeeze %dma_start3A_45 : memref<1x128xi32, #tpu.memory_space<vmem>> -> memref<128xi32, #tpu.memory_space<vmem>>
    %dma_start3A_47 = arith.constant 0 : i32
    %dma_start3A_48 = arith.constant 0 : i32
    %dma_start3A_49 = tpu.memref_slice %arg11[%dma_start3A_47, %dma_start3A_48] : memref<10240x128xf32, #tpu.memory_space<vmem_shared>> -> memref<10240x128xf32, #tpu.memory_space<vmem_shared>>
    tpu.enqueue_indirect_dma source(%arg10 : memref<128x128xf32, #tpu.memory_space<vmem>>) target(%dma_start3A_49 : memref<10240x128xf32, #tpu.memory_space<vmem_shared>>) offsets(%dma_start3A_46 : memref<128xi32, #tpu.memory_space<vmem>>) semaphore(%arg15 : memref<!tpu.dma_semaphore, #tpu.memory_space<semaphore_mem>>) {add = true}
    %dma_wait3A_50 = arith.constant 79 : i32
    %dma_wait3A_51 = arith.constant 0 : i32
    %dma_wait3A_52 = tpu.memref_slice %arg6[%dma_wait3A_50, %dma_wait3A_51] : memref<80x128xi32, #tpu.memory_space<vmem>> -> memref<1x128xi32, #tpu.memory_space<vmem>>
    %dma_wait3A_53 = tpu.memref_squeeze %dma_wait3A_52 : memref<1x128xi32, #tpu.memory_space<vmem>> -> memref<128xi32, #tpu.memory_space<vmem>>
    %dma_wait3A_54 = arith.constant 0 : i32
    %dma_wait3A_55 = arith.constant 0 : i32
    %dma_wait3A_56 = tpu.memref_slice %arg11[%dma_wait3A_54, %dma_wait3A_55] : memref<10240x128xf32, #tpu.memory_space<vmem_shared>> -> memref<10240x128xf32, #tpu.memory_space<vmem_shared>>
    tpu.wait_indirect_dma semaphore(%arg15 : memref<!tpu.dma_semaphore, #tpu.memory_space<semaphore_mem>>) src(%arg10 : memref<128x128xf32, #tpu.memory_space<vmem>>) dst(%dma_wait3A_56 : memref<10240x128xf32, #tpu.memory_space<vmem_shared>>)
    %barrier3A_57 = arith.constant 0 : index
    tpu.barrier barrier_id(%barrier3A_57)
    "tpu.region"() ({
      %run_scoped3A_58 = tpu.sem_alloc : memref<!tpu.dma_semaphore, #tpu.memory_space<semaphore_mem>>
      %dma_start3A_59 = arith.constant 0 : i32
      %dma_start3A_60 = arith.constant 0 : i32
      %dma_start3A_61 = tpu.memref_slice %arg5[%arg0, %dma_start3A_59, %dma_start3A_60] : memref<2x10240x128xf32, #tpu.memory_space<hbm>> -> memref<1x10240x128xf32, #tpu.memory_space<hbm>>
      %dma_start3A_62 = tpu.memref_squeeze %dma_start3A_61 : memref<1x10240x128xf32, #tpu.memory_space<hbm>> -> memref<10240x128xf32, #tpu.memory_space<hbm>>
      %dma_start3A_63 = arith.constant 0 : i32
      %dma_start3A_64 = tpu.memref_slice %dma_start3A_62[%mul3A_7, %dma_start3A_63] : memref<10240x128xf32, #tpu.memory_space<hbm>> -> memref<640x128xf32, #tpu.memory_space<hbm>>
      %dma_start3A_65 = arith.constant 0 : i32
      %dma_start3A_66 = tpu.memref_slice %arg11[%mul3A_7, %dma_start3A_65] : memref<10240x128xf32, #tpu.memory_space<vmem_shared>> -> memref<640x128xf32, #tpu.memory_space<vmem_shared>>
      tpu.enqueue_dma source(%dma_start3A_66 : memref<640x128xf32, #tpu.memory_space<vmem_shared>>) target(%dma_start3A_64 : memref<640x128xf32, #tpu.memory_space<hbm>>) target_semaphore(%run_scoped3A_58 : memref<!tpu.dma_semaphore, #tpu.memory_space<semaphore_mem>>)
      %dma_wait3A_67 = arith.constant 0 : i32
      %dma_wait3A_68 = arith.constant 0 : i32
      %dma_wait3A_69 = tpu.memref_slice %arg5[%arg0, %dma_wait3A_67, %dma_wait3A_68] : memref<2x10240x128xf32, #tpu.memory_space<hbm>> -> memref<1x10240x128xf32, #tpu.memory_space<hbm>>
      %dma_wait3A_70 = tpu.memref_squeeze %dma_wait3A_69 : memref<1x10240x128xf32, #tpu.memory_space<hbm>> -> memref<10240x128xf32, #tpu.memory_space<hbm>>
      %dma_wait3A_71 = arith.constant 0 : i32
      %dma_wait3A_72 = tpu.memref_slice %dma_wait3A_70[%mul3A_7, %dma_wait3A_71] : memref<10240x128xf32, #tpu.memory_space<hbm>> -> memref<640x128xf32, #tpu.memory_space<hbm>>
      %dma_wait3A_73 = arith.constant 0 : i32
      %dma_wait3A_74 = tpu.memref_slice %arg11[%mul3A_7, %dma_wait3A_73] : memref<10240x128xf32, #tpu.memory_space<vmem_shared>> -> memref<640x128xf32, #tpu.memory_space<vmem_shared>>
      tpu.wait_dma2 semaphore(%run_scoped3A_58 : memref<!tpu.dma_semaphore, #tpu.memory_space<semaphore_mem>>) src(%dma_wait3A_74 : memref<640x128xf32, #tpu.memory_space<vmem_shared>>) dst(%dma_wait3A_72 : memref<640x128xf32, #tpu.memory_space<hbm>>)
      tpu.yield
    }) : () -> ()
    return
  }
}

#map = affine_map<(d0, d1) -> (0, 0, 0)>
module attributes {stable_mosaic.version = 14 : i64} {
  func.func @k(%arg0: i32, %arg1: i32, %arg2: memref<32x80x128xi32, #tpu.memory_space<hbm>>, %arg3: memref<2x10240x16xf32, #tpu.memory_space<hbm>>, %arg4: memref<80x128xi32, #tpu.memory_space<vmem>>, %arg5: memref<128x16xf32, #tpu.memory_space<vmem>>, %arg6: memref<10240x16xf32, #tpu.memory_space<vmem_shared>>) attributes {dimension_semantics = [#tpu.dimension_semantics<core_parallel>, #tpu.dimension_semantics<subcore_parallel>], iteration_bounds = array<i64: 2, 16>, scalar_prefetch = 0 : i64, scratch_operands = 3 : i64, tpu.core_type = #tpu.core_type<sc_vector_subcore>, window_params = [{transform_indices = #map}, {transform_indices = #map}]} {
    %mul3A = arith.constant 2 : i32
    %mul3A_0 = arith.muli %arg1, %mul3A : i32
    %add3A = arith.addi %mul3A_0, %arg0 : i32
    "tpu.region"() ({
      %run_scoped3A = tpu.sem_alloc : memref<!tpu.dma_semaphore, #tpu.memory_space<semaphore_mem>>
      %dma_start3A = arith.constant 0 : i32
      %dma_start3A_26 = arith.constant 0 : i32
      %dma_start3A_27 = tpu.memref_slice %arg2[%add3A, %dma_start3A, %dma_start3A_26] : memref<32x80x128xi32, #tpu.memory_space<hbm>> -> memref<1x80x128xi32, #tpu.memory_space<hbm>>
      %dma_start3A_28 = tpu.memref_squeeze %dma_start3A_27 : memref<1x80x128xi32, #tpu.memory_space<hbm>> -> memref<80x128xi32, #tpu.memory_space<hbm>>
      %dma_start3A_29 = arith.constant 0 : i32
      %dma_start3A_30 = arith.constant 0 : i32
      %dma_start3A_31 = tpu.memref_slice %arg2[%add3A, %dma_start3A_29, %dma_start3A_30] : memref<32x80x128xi32, #tpu.memory_space<hbm>> -> memref<1x80x128xi32, #tpu.memory_space<hbm>>
      %dma_start3A_32 = tpu.memref_squeeze %dma_start3A_31 : memref<1x80x128xi32, #tpu.memory_space<hbm>> -> memref<80x128xi32, #tpu.memory_space<hbm>>
      tpu.enqueue_dma source(%dma_start3A_32 : memref<80x128xi32, #tpu.memory_space<hbm>>) target(%arg4 : memref<80x128xi32, #tpu.memory_space<vmem>>) target_semaphore(%run_scoped3A : memref<!tpu.dma_semaphore, #tpu.memory_space<semaphore_mem>>)
      %dma_wait3A = arith.constant 0 : i32
      %dma_wait3A_33 = arith.constant 0 : i32
      %dma_wait3A_34 = tpu.memref_slice %arg2[%add3A, %dma_wait3A, %dma_wait3A_33] : memref<32x80x128xi32, #tpu.memory_space<hbm>> -> memref<1x80x128xi32, #tpu.memory_space<hbm>>
      %dma_wait3A_35 = tpu.memref_squeeze %dma_wait3A_34 : memref<1x80x128xi32, #tpu.memory_space<hbm>> -> memref<80x128xi32, #tpu.memory_space<hbm>>
      %dma_wait3A_36 = arith.constant 0 : i32
      %dma_wait3A_37 = arith.constant 0 : i32
      %dma_wait3A_38 = tpu.memref_slice %arg2[%add3A, %dma_wait3A_36, %dma_wait3A_37] : memref<32x80x128xi32, #tpu.memory_space<hbm>> -> memref<1x80x128xi32, #tpu.memory_space<hbm>>
      %dma_wait3A_39 = tpu.memref_squeeze %dma_wait3A_38 : memref<1x80x128xi32, #tpu.memory_space<hbm>> -> memref<80x128xi32, #tpu.memory_space<hbm>>
      tpu.wait_dma2 semaphore(%run_scoped3A : memref<!tpu.dma_semaphore, #tpu.memory_space<semaphore_mem>>) src(%dma_wait3A_39 : memref<80x128xi32, #tpu.memory_space<hbm>>) dst(%arg4 : memref<80x128xi32, #tpu.memory_space<vmem>>)
      tpu.yield
    }) : () -> ()
    %broadcast_in_dim3A = arith.constant 0.000000e+00 : f32
    %broadcast_in_dim3A_1 = vector.broadcast %broadcast_in_dim3A : f32 to vector<16xf32>
    %scan3A = arith.constant 0 : i32
    %scan3A_2 = arith.constant 128 : i32
    %scan3A_3 = arith.addi %scan3A, %scan3A_2 : i32
    %scan3A_4 = arith.constant 1 : i32
    scf.for %scan3A_26 = %scan3A to %scan3A_3 step %scan3A_4  : i32 {
      %mul3A_27 = arith.constant 1 : i32
      %mul3A_28 = arith.muli %scan3A_26, %mul3A_27 : i32
      %add3A_29 = arith.constant 0 : i32
      %add3A_30 = arith.addi %add3A_29, %mul3A_28 : i32
      %swap3A = arith.index_cast %add3A_30 : i32 to index
      %swap3A_31 = arith.constant 0 : index
      %swap3A_32 = tpu.vector_load %arg5[%swap3A, %swap3A_31] {strides = array<i32>} : memref<128x16xf32, #tpu.memory_space<vmem>>, vector<1x16xf32>,
      %swap3A_33 = vector.shape_cast %swap3A_32 : vector<1x16xf32> to vector<16xf32>
      %swap3A_34 = vector.shape_cast %broadcast_in_dim3A_1 : vector<16xf32> to vector<1x16xf32>
      tpu.vector_store %arg5[%swap3A, %swap3A_31], %swap3A_34 {strides = array<i32>} : memref<128x16xf32, #tpu.memory_space<vmem>>, vector<1x16xf32>,
    }
    %scan3A_5 = arith.constant 128 : i32
    %mul3A_6 = arith.constant 640 : i32
    %mul3A_7 = arith.muli %arg1, %mul3A_6 : i32
    %scan3A_8 = arith.constant 0 : i32
    %scan3A_9 = arith.constant 5 : i32
    %scan3A_10 = arith.addi %scan3A_8, %scan3A_9 : i32
    %scan3A_11 = arith.constant 1 : i32
    scf.for %scan3A_26 = %scan3A_8 to %scan3A_10 step %scan3A_11  : i32 {
      %mul3A_27 = arith.constant 128 : i32
      %mul3A_28 = arith.muli %scan3A_26, %mul3A_27 : i32
      %add3A_29 = arith.constant 0 : i32
      %add3A_30 = arith.addi %add3A_29, %mul3A_28 : i32
      %add3A_31 = arith.addi %mul3A_7, %add3A_30 : i32
      "tpu.region"() ({
        %run_scoped3A = tpu.sem_alloc : memref<!tpu.dma_semaphore, #tpu.memory_space<semaphore_mem>>
        %dma_start3A = arith.constant 0 : i32
        %dma_start3A_32 = tpu.memref_slice %arg6[%add3A_31, %dma_start3A] : memref<10240x16xf32, #tpu.memory_space<vmem_shared>> -> memref<128x16xf32, #tpu.memory_space<vmem_shared>>
        %dma_start3A_33 = arith.constant 0 : i32
        %dma_start3A_34 = tpu.memref_slice %arg6[%add3A_31, %dma_start3A_33] : memref<10240x16xf32, #tpu.memory_space<vmem_shared>> -> memref<128x16xf32, #tpu.memory_space<vmem_shared>>
        tpu.enqueue_dma source(%arg5 : memref<128x16xf32, #tpu.memory_space<vmem>>) target(%dma_start3A_34 : memref<128x16xf32, #tpu.memory_space<vmem_shared>>) target_semaphore(%run_scoped3A : memref<!tpu.dma_semaphore, #tpu.memory_space<semaphore_mem>>)
        %dma_wait3A = arith.constant 0 : i32
        %dma_wait3A_35 = tpu.memref_slice %arg6[%add3A_31, %dma_wait3A] : memref<10240x16xf32, #tpu.memory_space<vmem_shared>> -> memref<128x16xf32, #tpu.memory_space<vmem_shared>>
        %dma_wait3A_36 = arith.constant 0 : i32
        %dma_wait3A_37 = tpu.memref_slice %arg6[%add3A_31, %dma_wait3A_36] : memref<10240x16xf32, #tpu.memory_space<vmem_shared>> -> memref<128x16xf32, #tpu.memory_space<vmem_shared>>
        tpu.wait_dma2 semaphore(%run_scoped3A : memref<!tpu.dma_semaphore, #tpu.memory_space<semaphore_mem>>) src(%arg5 : memref<128x16xf32, #tpu.memory_space<vmem>>) dst(%dma_wait3A_37 : memref<128x16xf32, #tpu.memory_space<vmem_shared>>)
        tpu.yield
      }) : () -> ()
    }
    %scan3A_12 = arith.constant 5 : i32
    %broadcast_in_dim3A_13 = arith.constant 1.000000e+00 : f32
    %broadcast_in_dim3A_14 = vector.broadcast %broadcast_in_dim3A_13 : f32 to vector<16xf32>
    %scan3A_15 = arith.constant 0 : i32
    %scan3A_16 = arith.constant 128 : i32
    %scan3A_17 = arith.addi %scan3A_15, %scan3A_16 : i32
    %scan3A_18 = arith.constant 1 : i32
    scf.for %scan3A_26 = %scan3A_15 to %scan3A_17 step %scan3A_18  : i32 {
      %mul3A_27 = arith.constant 1 : i32
      %mul3A_28 = arith.muli %scan3A_26, %mul3A_27 : i32
      %add3A_29 = arith.constant 0 : i32
      %add3A_30 = arith.addi %add3A_29, %mul3A_28 : i32
      %swap3A = arith.index_cast %add3A_30 : i32 to index
      %swap3A_31 = arith.constant 0 : index
      %swap3A_32 = tpu.vector_load %arg5[%swap3A, %swap3A_31] {strides = array<i32>} : memref<128x16xf32, #tpu.memory_space<vmem>>, vector<1x16xf32>,
      %swap3A_33 = vector.shape_cast %swap3A_32 : vector<1x16xf32> to vector<16xf32>
      %swap3A_34 = vector.shape_cast %broadcast_in_dim3A_14 : vector<16xf32> to vector<1x16xf32>
      tpu.vector_store %arg5[%swap3A, %swap3A_31], %swap3A_34 {strides = array<i32>} : memref<128x16xf32, #tpu.memory_space<vmem>>, vector<1x16xf32>,
    }
    %scan3A_19 = arith.constant 128 : i32
    %barrier3A = arith.constant 0 : index
    tpu.barrier barrier_id(%barrier3A)
    %scan3A_20 = arith.constant 0 : i32
    %scan3A_21 = arith.constant 80 : i32
    %scan3A_22 = arith.addi %scan3A_20, %scan3A_21 : i32
    %scan3A_23 = arith.constant 1 : i32
    scf.for %scan3A_26 = %scan3A_20 to %scan3A_22 step %scan3A_23  : i32 {
      %mul3A_27 = arith.constant 1 : i32
      %mul3A_28 = arith.muli %scan3A_26, %mul3A_27 : i32
      %add3A_29 = arith.constant 0 : i32
      %add3A_30 = arith.addi %add3A_29, %mul3A_28 : i32
      "tpu.region"() ({
        %run_scoped3A = tpu.sem_alloc : memref<!tpu.dma_semaphore, #tpu.memory_space<semaphore_mem>>
        %dma_start3A = arith.constant 0 : i32
        %dma_start3A_31 = tpu.memref_slice %arg4[%add3A_30, %dma_start3A] : memref<80x128xi32, #tpu.memory_space<vmem>> -> memref<1x128xi32, #tpu.memory_space<vmem>>
        %dma_start3A_32 = tpu.memref_squeeze %dma_start3A_31 : memref<1x128xi32, #tpu.memory_space<vmem>> -> memref<128xi32, #tpu.memory_space<vmem>>
        %dma_start3A_33 = arith.constant 0 : i32
        %dma_start3A_34 = arith.constant 0 : i32
        %dma_start3A_35 = tpu.memref_slice %arg6[%dma_start3A_33, %dma_start3A_34] : memref<10240x16xf32, #tpu.memory_space<vmem_shared>> -> memref<10240x16xf32, #tpu.memory_space<vmem_shared>>
        tpu.enqueue_indirect_dma source(%arg5 : memref<128x16xf32, #tpu.memory_space<vmem>>) target(%dma_start3A_35 : memref<10240x16xf32, #tpu.memory_space<vmem_shared>>) offsets(%dma_start3A_32 : memref<128xi32, #tpu.memory_space<vmem>>) semaphore(%run_scoped3A : memref<!tpu.dma_semaphore, #tpu.memory_space<semaphore_mem>>) {add = true}
        %dma_wait3A = arith.constant 0 : i32
        %dma_wait3A_36 = tpu.memref_slice %arg4[%add3A_30, %dma_wait3A] : memref<80x128xi32, #tpu.memory_space<vmem>> -> memref<1x128xi32, #tpu.memory_space<vmem>>
        %dma_wait3A_37 = tpu.memref_squeeze %dma_wait3A_36 : memref<1x128xi32, #tpu.memory_space<vmem>> -> memref<128xi32, #tpu.memory_space<vmem>>
        %dma_wait3A_38 = arith.constant 0 : i32
        %dma_wait3A_39 = arith.constant 0 : i32
        %dma_wait3A_40 = tpu.memref_slice %arg6[%dma_wait3A_38, %dma_wait3A_39] : memref<10240x16xf32, #tpu.memory_space<vmem_shared>> -> memref<10240x16xf32, #tpu.memory_space<vmem_shared>>
        tpu.wait_indirect_dma semaphore(%run_scoped3A : memref<!tpu.dma_semaphore, #tpu.memory_space<semaphore_mem>>) src(%arg5 : memref<128x16xf32, #tpu.memory_space<vmem>>) dst(%dma_wait3A_40 : memref<10240x16xf32, #tpu.memory_space<vmem_shared>>)
        tpu.yield
      }) : () -> ()
    }
    %scan3A_24 = arith.constant 80 : i32
    %barrier3A_25 = arith.constant 0 : index
    tpu.barrier barrier_id(%barrier3A_25)
    "tpu.region"() ({
      %run_scoped3A = tpu.sem_alloc : memref<!tpu.dma_semaphore, #tpu.memory_space<semaphore_mem>>
      %dma_start3A = arith.constant 0 : i32
      %dma_start3A_26 = arith.constant 0 : i32
      %dma_start3A_27 = tpu.memref_slice %arg3[%arg0, %dma_start3A, %dma_start3A_26] : memref<2x10240x16xf32, #tpu.memory_space<hbm>> -> memref<1x10240x16xf32, #tpu.memory_space<hbm>>
      %dma_start3A_28 = tpu.memref_squeeze %dma_start3A_27 : memref<1x10240x16xf32, #tpu.memory_space<hbm>> -> memref<10240x16xf32, #tpu.memory_space<hbm>>
      %dma_start3A_29 = arith.constant 0 : i32
      %dma_start3A_30 = tpu.memref_slice %dma_start3A_28[%mul3A_7, %dma_start3A_29] : memref<10240x16xf32, #tpu.memory_space<hbm>> -> memref<640x16xf32, #tpu.memory_space<hbm>>
      %dma_start3A_31 = arith.constant 0 : i32
      %dma_start3A_32 = tpu.memref_slice %arg6[%mul3A_7, %dma_start3A_31] : memref<10240x16xf32, #tpu.memory_space<vmem_shared>> -> memref<640x16xf32, #tpu.memory_space<vmem_shared>>
      tpu.enqueue_dma source(%dma_start3A_32 : memref<640x16xf32, #tpu.memory_space<vmem_shared>>) target(%dma_start3A_30 : memref<640x16xf32, #tpu.memory_space<hbm>>) target_semaphore(%run_scoped3A : memref<!tpu.dma_semaphore, #tpu.memory_space<semaphore_mem>>)
      %dma_wait3A = arith.constant 0 : i32
      %dma_wait3A_33 = arith.constant 0 : i32
      %dma_wait3A_34 = tpu.memref_slice %arg3[%arg0, %dma_wait3A, %dma_wait3A_33] : memref<2x10240x16xf32, #tpu.memory_space<hbm>> -> memref<1x10240x16xf32, #tpu.memory_space<hbm>>
      %dma_wait3A_35 = tpu.memref_squeeze %dma_wait3A_34 : memref<1x10240x16xf32, #tpu.memory_space<hbm>> -> memref<10240x16xf32, #tpu.memory_space<hbm>>
      %dma_wait3A_36 = arith.constant 0 : i32
      %dma_wait3A_37 = tpu.memref_slice %dma_wait3A_35[%mul3A_7, %dma_wait3A_36] : memref<10240x16xf32, #tpu.memory_space<hbm>> -> memref<640x16xf32, #tpu.memory_space<hbm>>
      %dma_wait3A_38 = arith.constant 0 : i32
      %dma_wait3A_39 = tpu.memref_slice %arg6[%mul3A_7, %dma_wait3A_38] : memref<10240x16xf32, #tpu.memory_space<vmem_shared>> -> memref<640x16xf32, #tpu.memory_space<vmem_shared>>
      tpu.wait_dma2 semaphore(%run_scoped3A : memref<!tpu.dma_semaphore, #tpu.memory_space<semaphore_mem>>) src(%dma_wait3A_39 : memref<640x16xf32, #tpu.memory_space<vmem_shared>>) dst(%dma_wait3A_37 : memref<640x16xf32, #tpu.memory_space<hbm>>)
      tpu.yield
    }) : () -> ()
    return
  }
}

#map = affine_map<(d0, d1) -> (0, 0)>
#map1 = affine_map<(d0, d1) -> (0, 0, 0)>
module attributes {stable_mosaic.version = 14 : i64} {
  func.func @k(%arg0: i32, %arg1: i32, %arg2: memref<10000x128xf32, #tpu.memory_space<hbm>>, %arg3: memref<32x80x128xi32, #tpu.memory_space<hbm>>, %arg4: memref<32x80x128xi32, #tpu.memory_space<hbm>>, %arg5: memref<2x10240x128xf32, #tpu.memory_space<hbm>>, %arg6: memref<80x128xi32, #tpu.memory_space<vmem>>, %arg7: memref<128xi32, #tpu.memory_space<vmem>>, %arg8: memref<128xi32, #tpu.memory_space<vmem>>, %arg9: memref<128x128xf32, #tpu.memory_space<vmem>>, %arg10: memref<128x128xf32, #tpu.memory_space<vmem>>, %arg11: memref<10240x128xf32, #tpu.memory_space<vmem_shared>>, %arg12: memref<!tpu.dma_semaphore, #tpu.memory_space<semaphore_mem>>, %arg13: memref<!tpu.dma_semaphore, #tpu.memory_space<semaphore_mem>>, %arg14: memref<!tpu.dma_semaphore, #tpu.memory_space<semaphore_mem>>, %arg15: memref<!tpu.dma_semaphore, #tpu.memory_space<semaphore_mem>>) attributes {dimension_semantics = [#tpu.dimension_semantics<core_parallel>, #tpu.dimension_semantics<subcore_parallel>], iteration_bounds = array<i64: 2, 16>, scalar_prefetch = 0 : i64, scratch_operands = 10 : i64, tpu.core_type = #tpu.core_type<sc_vector_subcore>, window_params = [{transform_indices = #map}, {transform_indices = #map1}, {transform_indices = #map1}, {transform_indices = #map1}]} {
    %mul3A = arith.constant 2 : i32
    %mul3A_0 = arith.muli %arg1, %mul3A : i32
    %add3A = arith.addi %mul3A_0, %arg0 : i32
    "tpu.region"() ({
      %run_scoped3A_58 = tpu.sem_alloc : memref<!tpu.dma_semaphore, #tpu.memory_space<semaphore_mem>>
      %dma_start3A_59 = arith.constant 0 : i32
      %dma_start3A_60 = arith.constant 0 : i32
      %dma_start3A_61 = tpu.memref_slice %arg4[%add3A, %dma_start3A_59, %dma_start3A_60] : memref<32x80x128xi32, #tpu.memory_space<hbm>> -> memref<1x80x128xi32, #tpu.memory_space<hbm>>
      %dma_start3A_62 = tpu.memref_squeeze %dma_start3A_61 : memref<1x80x128xi32, #tpu.memory_space<hbm>> -> memref<80x128xi32, #tpu.memory_space<hbm>>
      %dma_start3A_63 = arith.constant 0 : i32
      %dma_start3A_64 = arith.constant 0 : i32
      %dma_start3A_65 = tpu.memref_slice %arg4[%add3A, %dma_start3A_63, %dma_start3A_64] : memref<32x80x128xi32, #tpu.memory_space<hbm>> -> memref<1x80x128xi32, #tpu.memory_space<hbm>>
      %dma_start3A_66 = tpu.memref_squeeze %dma_start3A_65 : memref<1x80x128xi32, #tpu.memory_space<hbm>> -> memref<80x128xi32, #tpu.memory_space<hbm>>
      tpu.enqueue_dma source(%dma_start3A_66 : memref<80x128xi32, #tpu.memory_space<hbm>>) target(%arg6 : memref<80x128xi32, #tpu.memory_space<vmem>>) target_semaphore(%run_scoped3A_58 : memref<!tpu.dma_semaphore, #tpu.memory_space<semaphore_mem>>)
      %dma_wait3A_67 = arith.constant 0 : i32
      %dma_wait3A_68 = arith.constant 0 : i32
      %dma_wait3A_69 = tpu.memref_slice %arg4[%add3A, %dma_wait3A_67, %dma_wait3A_68] : memref<32x80x128xi32, #tpu.memory_space<hbm>> -> memref<1x80x128xi32, #tpu.memory_space<hbm>>
      %dma_wait3A_70 = tpu.memref_squeeze %dma_wait3A_69 : memref<1x80x128xi32, #tpu.memory_space<hbm>> -> memref<80x128xi32, #tpu.memory_space<hbm>>
      %dma_wait3A_71 = arith.constant 0 : i32
      %dma_wait3A_72 = arith.constant 0 : i32
      %dma_wait3A_73 = tpu.memref_slice %arg4[%add3A, %dma_wait3A_71, %dma_wait3A_72] : memref<32x80x128xi32, #tpu.memory_space<hbm>> -> memref<1x80x128xi32, #tpu.memory_space<hbm>>
      %dma_wait3A_74 = tpu.memref_squeeze %dma_wait3A_73 : memref<1x80x128xi32, #tpu.memory_space<hbm>> -> memref<80x128xi32, #tpu.memory_space<hbm>>
      tpu.wait_dma2 semaphore(%run_scoped3A_58 : memref<!tpu.dma_semaphore, #tpu.memory_space<semaphore_mem>>) src(%dma_wait3A_74 : memref<80x128xi32, #tpu.memory_space<hbm>>) dst(%arg6 : memref<80x128xi32, #tpu.memory_space<vmem>>)
      tpu.yield
    }) : () -> ()
    %broadcast_in_dim3A = arith.constant 0.000000e+00 : f32
    %broadcast_in_dim3A_1 = vector.broadcast %broadcast_in_dim3A : f32 to vector<16xf32>
    %scan3A = arith.constant 0 : i32
    %scan3A_2 = arith.constant 128 : i32
    %scan3A_3 = arith.addi %scan3A, %scan3A_2 : i32
    %scan3A_4 = arith.constant 1 : i32
    scf.for %scan3A_58 = %scan3A to %scan3A_3 step %scan3A_4  : i32 {
      %mul3A_59 = arith.constant 1 : i32
      %mul3A_60 = arith.muli %scan3A_58, %mul3A_59 : i32
      %add3A_61 = arith.constant 0 : i32
      %add3A_62 = arith.addi %add3A_61, %mul3A_60 : i32
      %swap3A = arith.index_cast %add3A_62 : i32 to index
      %swap3A_63 = arith.constant 0 : index
      %swap3A_64 = tpu.vector_load %arg9[%swap3A, %swap3A_63] {strides = array<i32>} : memref<128x128xf32, #tpu.memory_space<vmem>>, vector<1x16xf32>,
      %swap3A_65 = vector.shape_cast %swap3A_64 : vector<1x16xf32> to vector<16xf32>
      %swap3A_66 = vector.shape_cast %broadcast_in_dim3A_1 : vector<16xf32> to vector<1x16xf32>
      tpu.vector_store %arg9[%swap3A, %swap3A_63], %swap3A_66 {strides = array<i32>} : memref<128x128xf32, #tpu.memory_space<vmem>>, vector<1x16xf32>,
      %swap3A_67 = arith.index_cast %add3A_62 : i32 to index
      %swap3A_68 = arith.constant 16 : index
      %swap3A_69 = tpu.vector_load %arg9[%swap3A_67, %swap3A_68] {strides = array<i32>} : memref<128x128xf32, #tpu.memory_space<vmem>>, vector<1x16xf32>,
      %swap3A_70 = vector.shape_cast %swap3A_69 : vector<1x16xf32> to vector<16xf32>
      %swap3A_71 = vector.shape_cast %broadcast_in_dim3A_1 : vector<16xf32> to vector<1x16xf32>
      tpu.vector_store %arg9[%swap3A_67, %swap3A_68], %swap3A_71 {strides = array<i32>} : memref<128x128xf32, #tpu.memory_space<vmem>>, vector<1x16xf32>,
      %swap3A_72 = arith.index_cast %add3A_62 : i32 to index
      %swap3A_73 = arith.constant 32 : index
      %swap3A_74 = tpu.vector_load %arg9[%swap3A_72, %swap3A_73] {strides = array<i32>} : memref<128x128xf32, #tpu.memory_space<vmem>>, vector<1x16xf32>,
      %swap3A_75 = vector.shape_cast %swap3A_74 : vector<1x16xf32> to vector<16xf32>
      %swap3A_76 = vector.shape_cast %broadcast_in_dim3A_1 : vector<16xf32> to vector<1x16xf32>
      tpu.vector_store %arg9[%swap3A_72, %swap3A_73], %swap3A_76 {strides = array<i32>} : memref<128x128xf32, #tpu.memory_space<vmem>>, vector<1x16xf32>,
      %swap3A_77 = arith.index_cast %add3A_62 : i32 to index
      %swap3A_78 = arith.constant 48 : index
      %swap3A_79 = tpu.vector_load %arg9[%swap3A_77, %swap3A_78] {strides = array<i32>} : memref<128x128xf32, #tpu.memory_space<vmem>>, vector<1x16xf32>,
      %swap3A_80 = vector.shape_cast %swap3A_79 : vector<1x16xf32> to vector<16xf32>
      %swap3A_81 = vector.shape_cast %broadcast_in_dim3A_1 : vector<16xf32> to vector<1x16xf32>
      tpu.vector_store %arg9[%swap3A_77, %swap3A_78], %swap3A_81 {strides = array<i32>} : memref<128x128xf32, #tpu.memory_space<vmem>>, vector<1x16xf32>,
      %swap3A_82 = arith.index_cast %add3A_62 : i32 to index
      %swap3A_83 = arith.constant 64 : index
      %swap3A_84 = tpu.vector_load %arg9[%swap3A_82, %swap3A_83] {strides = array<i32>} : memref<128x128xf32, #tpu.memory_space<vmem>>, vector<1x16xf32>,
      %swap3A_85 = vector.shape_cast %swap3A_84 : vector<1x16xf32> to vector<16xf32>
      %swap3A_86 = vector.shape_cast %broadcast_in_dim3A_1 : vector<16xf32> to vector<1x16xf32>
      tpu.vector_store %arg9[%swap3A_82, %swap3A_83], %swap3A_86 {strides = array<i32>} : memref<128x128xf32, #tpu.memory_space<vmem>>, vector<1x16xf32>,
      %swap3A_87 = arith.index_cast %add3A_62 : i32 to index
      %swap3A_88 = arith.constant 80 : index
      %swap3A_89 = tpu.vector_load %arg9[%swap3A_87, %swap3A_88] {strides = array<i32>} : memref<128x128xf32, #tpu.memory_space<vmem>>, vector<1x16xf32>,
      %swap3A_90 = vector.shape_cast %swap3A_89 : vector<1x16xf32> to vector<16xf32>
      %swap3A_91 = vector.shape_cast %broadcast_in_dim3A_1 : vector<16xf32> to vector<1x16xf32>
      tpu.vector_store %arg9[%swap3A_87, %swap3A_88], %swap3A_91 {strides = array<i32>} : memref<128x128xf32, #tpu.memory_space<vmem>>, vector<1x16xf32>,
      %swap3A_92 = arith.index_cast %add3A_62 : i32 to index
      %swap3A_93 = arith.constant 96 : index
      %swap3A_94 = tpu.vector_load %arg9[%swap3A_92, %swap3A_93] {strides = array<i32>} : memref<128x128xf32, #tpu.memory_space<vmem>>, vector<1x16xf32>,
      %swap3A_95 = vector.shape_cast %swap3A_94 : vector<1x16xf32> to vector<16xf32>
      %swap3A_96 = vector.shape_cast %broadcast_in_dim3A_1 : vector<16xf32> to vector<1x16xf32>
      tpu.vector_store %arg9[%swap3A_92, %swap3A_93], %swap3A_96 {strides = array<i32>} : memref<128x128xf32, #tpu.memory_space<vmem>>, vector<1x16xf32>,
      %swap3A_97 = arith.index_cast %add3A_62 : i32 to index
      %swap3A_98 = arith.constant 112 : index
      %swap3A_99 = tpu.vector_load %arg9[%swap3A_97, %swap3A_98] {strides = array<i32>} : memref<128x128xf32, #tpu.memory_space<vmem>>, vector<1x16xf32>,
      %swap3A_100 = vector.shape_cast %swap3A_99 : vector<1x16xf32> to vector<16xf32>
      %swap3A_101 = vector.shape_cast %broadcast_in_dim3A_1 : vector<16xf32> to vector<1x16xf32>
      tpu.vector_store %arg9[%swap3A_97, %swap3A_98], %swap3A_101 {strides = array<i32>} : memref<128x128xf32, #tpu.memory_space<vmem>>, vector<1x16xf32>,
    }
    %scan3A_5 = arith.constant 128 : i32
    %mul3A_6 = arith.constant 640 : i32
    %mul3A_7 = arith.muli %arg1, %mul3A_6 : i32
    %scan3A_8 = arith.constant 0 : i32
    %scan3A_9 = arith.constant 5 : i32
    %scan3A_10 = arith.addi %scan3A_8, %scan3A_9 : i32
    %scan3A_11 = arith.constant 1 : i32
    scf.for %scan3A_58 = %scan3A_8 to %scan3A_10 step %scan3A_11  : i32 {
      %mul3A_59 = arith.constant 128 : i32
      %mul3A_60 = arith.muli %scan3A_58, %mul3A_59 : i32
      %add3A_61 = arith.constant 0 : i32
      %add3A_62 = arith.addi %add3A_61, %mul3A_60 : i32
      %add3A_63 = arith.addi %mul3A_7, %add3A_62 : i32
      "tpu.region"() ({
        %run_scoped3A_64 = tpu.sem_alloc : memref<!tpu.dma_semaphore, #tpu.memory_space<semaphore_mem>>
        %dma_start3A_65 = arith.constant 0 : i32
        %dma_start3A_66 = tpu.memref_slice %arg11[%add3A_63, %dma_start3A_65] : memref<10240x128xf32, #tpu.memory_space<vmem_shared>> -> memref<128x128xf32, #tpu.memory_space<vmem_shared>>
        %dma_start3A_67 = arith.constant 0 : i32
        %dma_start3A_68 = tpu.memref_slice %arg11[%add3A_63, %dma_start3A_67] : memref<10240x128xf32, #tpu.memory_space<vmem_shared>> -> memref<128x128xf32, #tpu.memory_space<vmem_shared>>
        tpu.enqueue_dma source(%arg9 : memref<128x128xf32, #tpu.memory_space<vmem>>) target(%dma_start3A_68 : memref<128x128xf32, #tpu.memory_space<vmem_shared>>) target_semaphore(%run_scoped3A_64 : memref<!tpu.dma_semaphore, #tpu.memory_space<semaphore_mem>>)
        %dma_wait3A_69 = arith.constant 0 : i32
        %dma_wait3A_70 = tpu.memref_slice %arg11[%add3A_63, %dma_wait3A_69] : memref<10240x128xf32, #tpu.memory_space<vmem_shared>> -> memref<128x128xf32, #tpu.memory_space<vmem_shared>>
        %dma_wait3A_71 = arith.constant 0 : i32
        %dma_wait3A_72 = tpu.memref_slice %arg11[%add3A_63, %dma_wait3A_71] : memref<10240x128xf32, #tpu.memory_space<vmem_shared>> -> memref<128x128xf32, #tpu.memory_space<vmem_shared>>
        tpu.wait_dma2 semaphore(%run_scoped3A_64 : memref<!tpu.dma_semaphore, #tpu.memory_space<semaphore_mem>>) src(%arg9 : memref<128x128xf32, #tpu.memory_space<vmem>>) dst(%dma_wait3A_72 : memref<128x128xf32, #tpu.memory_space<vmem_shared>>)
        tpu.yield
      }) : () -> ()
    }
    %scan3A_12 = arith.constant 5 : i32
    %barrier3A = arith.constant 0 : index
    tpu.barrier barrier_id(%barrier3A)
    %run_scoped3A = arith.constant 0 : i32
    "tpu.region"() ({
      %run_scoped3A_58 = tpu.sem_alloc : memref<!tpu.dma_semaphore, #tpu.memory_space<semaphore_mem>>
      %dma_start3A_59 = arith.constant 0 : i32
      %dma_start3A_60 = arith.constant 0 : i32
      %dma_start3A_61 = tpu.memref_slice %arg3[%add3A, %dma_start3A_59, %dma_start3A_60] : memref<32x80x128xi32, #tpu.memory_space<hbm>> -> memref<1x80x128xi32, #tpu.memory_space<hbm>>
      %dma_start3A_62 = tpu.memref_squeeze %dma_start3A_61 : memref<1x80x128xi32, #tpu.memory_space<hbm>> -> memref<80x128xi32, #tpu.memory_space<hbm>>
      %dma_start3A_63 = arith.constant 0 : i32
      %dma_start3A_64 = tpu.memref_slice %dma_start3A_62[%run_scoped3A, %dma_start3A_63] : memref<80x128xi32, #tpu.memory_space<hbm>> -> memref<1x128xi32, #tpu.memory_space<hbm>>
      %dma_start3A_65 = tpu.memref_squeeze %dma_start3A_64 : memref<1x128xi32, #tpu.memory_space<hbm>> -> memref<128xi32, #tpu.memory_space<hbm>>
      %dma_start3A_66 = arith.constant 0 : i32
      %dma_start3A_67 = arith.constant 0 : i32
      %dma_start3A_68 = tpu.memref_slice %arg3[%add3A, %dma_start3A_66, %dma_start3A_67] : memref<32x80x128xi32, #tpu.memory_space<hbm>> -> memref<1x80x128xi32, #tpu.memory_space<hbm>>
      %dma_start3A_69 = tpu.memref_squeeze %dma_start3A_68 : memref<1x80x128xi32, #tpu.memory_space<hbm>> -> memref<80x128xi32, #tpu.memory_space<hbm>>
      %dma_start3A_70 = arith.constant 0 : i32
      %dma_start3A_71 = tpu.memref_slice %dma_start3A_69[%run_scoped3A, %dma_start3A_70] : memref<80x128xi32, #tpu.memory_space<hbm>> -> memref<1x128xi32, #tpu.memory_space<hbm>>
      %dma_start3A_72 = tpu.memref_squeeze %dma_start3A_71 : memref<1x128xi32, #tpu.memory_space<hbm>> -> memref<128xi32, #tpu.memory_space<hbm>>
      tpu.enqueue_dma source(%dma_start3A_72 : memref<128xi32, #tpu.memory_space<hbm>>) target(%arg7 : memref<128xi32, #tpu.memory_space<vmem>>) target_semaphore(%run_scoped3A_58 : memref<!tpu.dma_semaphore, #tpu.memory_space<semaphore_mem>>)
      %dma_wait3A_73 = arith.constant 0 : i32
      %dma_wait3A_74 = arith.constant 0 : i32
      %dma_wait3A_75 = tpu.memref_slice %arg3[%add3A, %dma_wait3A_73, %dma_wait3A_74] : memref<32x80x128xi32, #tpu.memory_space<hbm>> -> memref<1x80x128xi32, #tpu.memory_space<hbm>>
      %dma_wait3A_76 = tpu.memref_squeeze %dma_wait3A_75 : memref<1x80x128xi32, #tpu.memory_space<hbm>> -> memref<80x128xi32, #tpu.memory_space<hbm>>
      %dma_wait3A_77 = arith.constant 0 : i32
      %dma_wait3A_78 = tpu.memref_slice %dma_wait3A_76[%run_scoped3A, %dma_wait3A_77] : memref<80x128xi32, #tpu.memory_space<hbm>> -> memref<1x128xi32, #tpu.memory_space<hbm>>
      %dma_wait3A_79 = tpu.memref_squeeze %dma_wait3A_78 : memref<1x128xi32, #tpu.memory_space<hbm>> -> memref<128xi32, #tpu.memory_space<hbm>>
      %dma_wait3A_80 = arith.constant 0 : i32
      %dma_wait3A_81 = arith.constant 0 : i32
      %dma_wait3A_82 = tpu.memref_slice %arg3[%add3A, %dma_wait3A_80, %dma_wait3A_81] : memref<32x80x128xi32, #tpu.memory_space<hbm>> -> memref<1x80x128xi32, #tpu.memory_space<hbm>>
      %dma_wait3A_83 = tpu.memref_squeeze %dma_wait3A_82 : memref<1x80x128xi32, #tpu.memory_space<hbm>> -> memref<80x128xi32, #tpu.memory_space<hbm>>
      %dma_wait3A_84 = arith.constant 0 : i32
      %dma_wait3A_85 = tpu.memref_slice %dma_wait3A_83[%run_scoped3A, %dma_wait3A_84] : memref<80x128xi32, #tpu.memory_space<hbm>> -> memref<1x128xi32, #tpu.memory_space<hbm>>
      %dma_wait3A_86 = tpu.memref_squeeze %dma_wait3A_85 : memref<1x128xi32, #tpu.memory_space<hbm>> -> memref<128xi32, #tpu.memory_space<hbm>>
      tpu.wait_dma2 semaphore(%run_scoped3A_58 : memref<!tpu.dma_semaphore, #tpu.memory_space<semaphore_mem>>) src(%dma_wait3A_86 : memref<128xi32, #tpu.memory_space<hbm>>) dst(%arg7 : memref<128xi32, #tpu.memory_space<vmem>>)
      tpu.yield
    }) : () -> ()
    %dma_start3A = arith.constant 0 : i32
    %dma_start3A_13 = arith.constant 0 : i32
    %dma_start3A_14 = tpu.memref_slice %arg2[%dma_start3A, %dma_start3A_13] : memref<10000x128xf32, #tpu.memory_space<hbm>> -> memref<10000x128xf32, #tpu.memory_space<hbm>>
    tpu.enqueue_indirect_dma source(%dma_start3A_14 : memref<10000x128xf32, #tpu.memory_space<hbm>>) target(%arg9 : memref<128x128xf32, #tpu.memory_space<vmem>>) offsets(%arg7 : memref<128xi32, #tpu.memory_space<vmem>>) semaphore(%arg12 : memref<!tpu.dma_semaphore, #tpu.memory_space<semaphore_mem>>)
    %run_scoped3A_15 = arith.constant 1 : i32
    "tpu.region"() ({
      %run_scoped3A_58 = tpu.sem_alloc : memref<!tpu.dma_semaphore, #tpu.memory_space<semaphore_mem>>
      %dma_start3A_59 = arith.constant 0 : i32
      %dma_start3A_60 = arith.constant 0 : i32
      %dma_start3A_61 = tpu.memref_slice %arg3[%add3A, %dma_start3A_59, %dma_start3A_60] : memref<32x80x128xi32, #tpu.memory_space<hbm>> -> memref<1x80x128xi32, #tpu.memory_space<hbm>>
      %dma_start3A_62 = tpu.memref_squeeze %dma_start3A_61 : memref<1x80x128xi32, #tpu.memory_space<hbm>> -> memref<80x128xi32, #tpu.memory_space<hbm>>
      %dma_start3A_63 = arith.constant 0 : i32
      %dma_start3A_64 = tpu.memref_slice %dma_start3A_62[%run_scoped3A_15, %dma_start3A_63] : memref<80x128xi32, #tpu.memory_space<hbm>> -> memref<1x128xi32, #tpu.memory_space<hbm>>
      %dma_start3A_65 = tpu.memref_squeeze %dma_start3A_64 : memref<1x128xi32, #tpu.memory_space<hbm>> -> memref<128xi32, #tpu.memory_space<hbm>>
      %dma_start3A_66 = arith.constant 0 : i32
      %dma_start3A_67 = arith.constant 0 : i32
      %dma_start3A_68 = tpu.memref_slice %arg3[%add3A, %dma_start3A_66, %dma_start3A_67] : memref<32x80x128xi32, #tpu.memory_space<hbm>> -> memref<1x80x128xi32, #tpu.memory_space<hbm>>
      %dma_start3A_69 = tpu.memref_squeeze %dma_start3A_68 : memref<1x80x128xi32, #tpu.memory_space<hbm>> -> memref<80x128xi32, #tpu.memory_space<hbm>>
      %dma_start3A_70 = arith.constant 0 : i32
      %dma_start3A_71 = tpu.memref_slice %dma_start3A_69[%run_scoped3A_15, %dma_start3A_70] : memref<80x128xi32, #tpu.memory_space<hbm>> -> memref<1x128xi32, #tpu.memory_space<hbm>>
      %dma_start3A_72 = tpu.memref_squeeze %dma_start3A_71 : memref<1x128xi32, #tpu.memory_space<hbm>> -> memref<128xi32, #tpu.memory_space<hbm>>
      tpu.enqueue_dma source(%dma_start3A_72 : memref<128xi32, #tpu.memory_space<hbm>>) target(%arg8 : memref<128xi32, #tpu.memory_space<vmem>>) target_semaphore(%run_scoped3A_58 : memref<!tpu.dma_semaphore, #tpu.memory_space<semaphore_mem>>)
      %dma_wait3A_73 = arith.constant 0 : i32
      %dma_wait3A_74 = arith.constant 0 : i32
      %dma_wait3A_75 = tpu.memref_slice %arg3[%add3A, %dma_wait3A_73, %dma_wait3A_74] : memref<32x80x128xi32, #tpu.memory_space<hbm>> -> memref<1x80x128xi32, #tpu.memory_space<hbm>>
      %dma_wait3A_76 = tpu.memref_squeeze %dma_wait3A_75 : memref<1x80x128xi32, #tpu.memory_space<hbm>> -> memref<80x128xi32, #tpu.memory_space<hbm>>
      %dma_wait3A_77 = arith.constant 0 : i32
      %dma_wait3A_78 = tpu.memref_slice %dma_wait3A_76[%run_scoped3A_15, %dma_wait3A_77] : memref<80x128xi32, #tpu.memory_space<hbm>> -> memref<1x128xi32, #tpu.memory_space<hbm>>
      %dma_wait3A_79 = tpu.memref_squeeze %dma_wait3A_78 : memref<1x128xi32, #tpu.memory_space<hbm>> -> memref<128xi32, #tpu.memory_space<hbm>>
      %dma_wait3A_80 = arith.constant 0 : i32
      %dma_wait3A_81 = arith.constant 0 : i32
      %dma_wait3A_82 = tpu.memref_slice %arg3[%add3A, %dma_wait3A_80, %dma_wait3A_81] : memref<32x80x128xi32, #tpu.memory_space<hbm>> -> memref<1x80x128xi32, #tpu.memory_space<hbm>>
      %dma_wait3A_83 = tpu.memref_squeeze %dma_wait3A_82 : memref<1x80x128xi32, #tpu.memory_space<hbm>> -> memref<80x128xi32, #tpu.memory_space<hbm>>
      %dma_wait3A_84 = arith.constant 0 : i32
      %dma_wait3A_85 = tpu.memref_slice %dma_wait3A_83[%run_scoped3A_15, %dma_wait3A_84] : memref<80x128xi32, #tpu.memory_space<hbm>> -> memref<1x128xi32, #tpu.memory_space<hbm>>
      %dma_wait3A_86 = tpu.memref_squeeze %dma_wait3A_85 : memref<1x128xi32, #tpu.memory_space<hbm>> -> memref<128xi32, #tpu.memory_space<hbm>>
      tpu.wait_dma2 semaphore(%run_scoped3A_58 : memref<!tpu.dma_semaphore, #tpu.memory_space<semaphore_mem>>) src(%dma_wait3A_86 : memref<128xi32, #tpu.memory_space<hbm>>) dst(%arg8 : memref<128xi32, #tpu.memory_space<vmem>>)
      tpu.yield
    }) : () -> ()
    %dma_start3A_16 = arith.constant 0 : i32
    %dma_start3A_17 = arith.constant 0 : i32
    %dma_start3A_18 = tpu.memref_slice %arg2[%dma_start3A_16, %dma_start3A_17] : memref<10000x128xf32, #tpu.memory_space<hbm>> -> memref<10000x128xf32, #tpu.memory_space<hbm>>
    tpu.enqueue_indirect_dma source(%dma_start3A_18 : memref<10000x128xf32, #tpu.memory_space<hbm>>) target(%arg10 : memref<128x128xf32, #tpu.memory_space<vmem>>) offsets(%arg8 : memref<128xi32, #tpu.memory_space<vmem>>) semaphore(%arg13 : memref<!tpu.dma_semaphore, #tpu.memory_space<semaphore_mem>>)
    %dma_wait3A = arith.constant 0 : i32
    %dma_wait3A_19 = arith.constant 0 : i32
    %dma_wait3A_20 = tpu.memref_slice %arg2[%dma_wait3A, %dma_wait3A_19] : memref<10000x128xf32, #tpu.memory_space<hbm>> -> memref<10000x128xf32, #tpu.memory_space<hbm>>
    tpu.wait_indirect_dma semaphore(%arg12 : memref<!tpu.dma_semaphore, #tpu.memory_space<semaphore_mem>>) src(%dma_wait3A_20 : memref<10000x128xf32, #tpu.memory_space<hbm>>) dst(%arg9 : memref<128x128xf32, #tpu.memory_space<vmem>>)
    %dma_start3A_21 = arith.constant 0 : i32
    %dma_start3A_22 = arith.constant 0 : i32
    %dma_start3A_23 = tpu.memref_slice %arg6[%dma_start3A_21, %dma_start3A_22] : memref<80x128xi32, #tpu.memory_space<vmem>> -> memref<1x128xi32, #tpu.memory_space<vmem>>
    %dma_start3A_24 = tpu.memref_squeeze %dma_start3A_23 : memref<1x128xi32, #tpu.memory_space<vmem>> -> memref<128xi32, #tpu.memory_space<vmem>>
    %dma_start3A_25 = arith.constant 0 : i32
    %dma_start3A_26 = arith.constant 0 : i32
    %dma_start3A_27 = tpu.memref_slice %arg11[%dma_start3A_25, %dma_start3A_26] : memref<10240x128xf32, #tpu.memory_space<vmem_shared>> -> memref<10240x128xf32, #tpu.memory_space<vmem_shared>>
    tpu.enqueue_indirect_dma source(%arg9 : memref<128x128xf32, #tpu.memory_space<vmem>>) target(%dma_start3A_27 : memref<10240x128xf32, #tpu.memory_space<vmem_shared>>) offsets(%dma_start3A_24 : memref<128xi32, #tpu.memory_space<vmem>>) semaphore(%arg14 : memref<!tpu.dma_semaphore, #tpu.memory_space<semaphore_mem>>) {add = true}
    %scan3A_28 = arith.constant 0 : i32
    %scan3A_29 = arith.constant 39 : i32
    %scan3A_30 = arith.addi %scan3A_28, %scan3A_29 : i32
    %scan3A_31 = arith.constant 1 : i32
    scf.for %scan3A_58 = %scan3A_28 to %scan3A_30 step %scan3A_31  : i32 {
      %mul3A_59 = arith.constant 1 : i32
      %mul3A_60 = arith.muli %scan3A_58, %mul3A_59 : i32
      %add3A_61 = arith.constant 0 : i32
      %add3A_62 = arith.addi %add3A_61, %mul3A_60 : i32
      %mul3A_63 = arith.constant 2 : i32
      %mul3A_64 = arith.muli %mul3A_63, %add3A_62 : i32
      %add3A_65 = arith.constant 2 : i32
      %add3A_66 = arith.addi %add3A_65, %mul3A_64 : i32
      %sub3A = arith.constant 2 : i32
      %sub3A_67 = arith.subi %add3A_66, %sub3A : i32
      %dma_wait3A_68 = arith.constant 0 : i32
      %dma_wait3A_69 = tpu.memref_slice %arg6[%sub3A_67, %dma_wait3A_68] : memref<80x128xi32, #tpu.memory_space<vmem>> -> memref<1x128xi32, #tpu.memory_space<vmem>>
      %dma_wait3A_70 = tpu.memref_squeeze %dma_wait3A_69 : memref<1x128xi32, #tpu.memory_space<vmem>> -> memref<128xi32, #tpu.memory_space<vmem>>
      %dma_wait3A_71 = arith.constant 0 : i32
      %dma_wait3A_72 = arith.constant 0 : i32
      %dma_wait3A_73 = tpu.memref_slice %arg11[%dma_wait3A_71, %dma_wait3A_72] : memref<10240x128xf32, #tpu.memory_space<vmem_shared>> -> memref<10240x128xf32, #tpu.memory_space<vmem_shared>>
      tpu.wait_indirect_dma semaphore(%arg14 : memref<!tpu.dma_semaphore, #tpu.memory_space<semaphore_mem>>) src(%arg9 : memref<128x128xf32, #tpu.memory_space<vmem>>) dst(%dma_wait3A_73 : memref<10240x128xf32, #tpu.memory_space<vmem_shared>>)
      "tpu.region"() ({
        %run_scoped3A_110 = tpu.sem_alloc : memref<!tpu.dma_semaphore, #tpu.memory_space<semaphore_mem>>
        %dma_start3A_111 = arith.constant 0 : i32
        %dma_start3A_112 = arith.constant 0 : i32
        %dma_start3A_113 = tpu.memref_slice %arg3[%add3A, %dma_start3A_111, %dma_start3A_112] : memref<32x80x128xi32, #tpu.memory_space<hbm>> -> memref<1x80x128xi32, #tpu.memory_space<hbm>>
        %dma_start3A_114 = tpu.memref_squeeze %dma_start3A_113 : memref<1x80x128xi32, #tpu.memory_space<hbm>> -> memref<80x128xi32, #tpu.memory_space<hbm>>
        %dma_start3A_115 = arith.constant 0 : i32
        %dma_start3A_116 = tpu.memref_slice %dma_start3A_114[%add3A_66, %dma_start3A_115] : memref<80x128xi32, #tpu.memory_space<hbm>> -> memref<1x128xi32, #tpu.memory_space<hbm>>
        %dma_start3A_117 = tpu.memref_squeeze %dma_start3A_116 : memref<1x128xi32, #tpu.memory_space<hbm>> -> memref<128xi32, #tpu.memory_space<hbm>>
        %dma_start3A_118 = arith.constant 0 : i32
        %dma_start3A_119 = arith.constant 0 : i32
        %dma_start3A_120 = tpu.memref_slice %arg3[%add3A, %dma_start3A_118, %dma_start3A_119] : memref<32x80x128xi32, #tpu.memory_space<hbm>> -> memref<1x80x128xi32, #tpu.memory_space<hbm>>
        %dma_start3A_121 = tpu.memref_squeeze %dma_start3A_120 : memref<1x80x128xi32, #tpu.memory_space<hbm>> -> memref<80x128xi32, #tpu.memory_space<hbm>>
        %dma_start3A_122 = arith.constant 0 : i32
        %dma_start3A_123 = tpu.memref_slice %dma_start3A_121[%add3A_66, %dma_start3A_122] : memref<80x128xi32, #tpu.memory_space<hbm>> -> memref<1x128xi32, #tpu.memory_space<hbm>>
        %dma_start3A_124 = tpu.memref_squeeze %dma_start3A_123 : memref<1x128xi32, #tpu.memory_space<hbm>> -> memref<128xi32, #tpu.memory_space<hbm>>
        tpu.enqueue_dma source(%dma_start3A_124 : memref<128xi32, #tpu.memory_space<hbm>>) target(%arg7 : memref<128xi32, #tpu.memory_space<vmem>>) target_semaphore(%run_scoped3A_110 : memref<!tpu.dma_semaphore, #tpu.memory_space<semaphore_mem>>)
        %dma_wait3A_125 = arith.constant 0 : i32
        %dma_wait3A_126 = arith.constant 0 : i32
        %dma_wait3A_127 = tpu.memref_slice %arg3[%add3A, %dma_wait3A_125, %dma_wait3A_126] : memref<32x80x128xi32, #tpu.memory_space<hbm>> -> memref<1x80x128xi32, #tpu.memory_space<hbm>>
        %dma_wait3A_128 = tpu.memref_squeeze %dma_wait3A_127 : memref<1x80x128xi32, #tpu.memory_space<hbm>> -> memref<80x128xi32, #tpu.memory_space<hbm>>
        %dma_wait3A_129 = arith.constant 0 : i32
        %dma_wait3A_130 = tpu.memref_slice %dma_wait3A_128[%add3A_66, %dma_wait3A_129] : memref<80x128xi32, #tpu.memory_space<hbm>> -> memref<1x128xi32, #tpu.memory_space<hbm>>
        %dma_wait3A_131 = tpu.memref_squeeze %dma_wait3A_130 : memref<1x128xi32, #tpu.memory_space<hbm>> -> memref<128xi32, #tpu.memory_space<hbm>>
        %dma_wait3A_132 = arith.constant 0 : i32
        %dma_wait3A_133 = arith.constant 0 : i32
        %dma_wait3A_134 = tpu.memref_slice %arg3[%add3A, %dma_wait3A_132, %dma_wait3A_133] : memref<32x80x128xi32, #tpu.memory_space<hbm>> -> memref<1x80x128xi32, #tpu.memory_space<hbm>>
        %dma_wait3A_135 = tpu.memref_squeeze %dma_wait3A_134 : memref<1x80x128xi32, #tpu.memory_space<hbm>> -> memref<80x128xi32, #tpu.memory_space<hbm>>
        %dma_wait3A_136 = arith.constant 0 : i32
        %dma_wait3A_137 = tpu.memref_slice %dma_wait3A_135[%add3A_66, %dma_wait3A_136] : memref<80x128xi32, #tpu.memory_space<hbm>> -> memref<1x128xi32, #tpu.memory_space<hbm>>
        %dma_wait3A_138 = tpu.memref_squeeze %dma_wait3A_137 : memref<1x128xi32, #tpu.memory_space<hbm>> -> memref<128xi32, #tpu.memory_space<hbm>>
        tpu.wait_dma2 semaphore(%run_scoped3A_110 : memref<!tpu.dma_semaphore, #tpu.memory_space<semaphore_mem>>) src(%dma_wait3A_138 : memref<128xi32, #tpu.memory_space<hbm>>) dst(%arg7 : memref<128xi32, #tpu.memory_space<vmem>>)
        tpu.yield
      }) : () -> ()
      %dma_start3A_74 = arith.constant 0 : i32
      %dma_start3A_75 = arith.constant 0 : i32
      %dma_start3A_76 = tpu.memref_slice %arg2[%dma_start3A_74, %dma_start3A_75] : memref<10000x128xf32, #tpu.memory_space<hbm>> -> memref<10000x128xf32, #tpu.memory_space<hbm>>
      tpu.enqueue_indirect_dma source(%dma_start3A_76 : memref<10000x128xf32, #tpu.memory_space<hbm>>) target(%arg9 : memref<128x128xf32, #tpu.memory_space<vmem>>) offsets(%arg7 : memref<128xi32, #tpu.memory_space<vmem>>) semaphore(%arg12 : memref<!tpu.dma_semaphore, #tpu.memory_space<semaphore_mem>>)
      %dma_wait3A_77 = arith.constant 0 : i32
      %dma_wait3A_78 = arith.constant 0 : i32
      %dma_wait3A_79 = tpu.memref_slice %arg2[%dma_wait3A_77, %dma_wait3A_78] : memref<10000x128xf32, #tpu.memory_space<hbm>> -> memref<10000x128xf32, #tpu.memory_space<hbm>>
      tpu.wait_indirect_dma semaphore(%arg13 : memref<!tpu.dma_semaphore, #tpu.memory_space<semaphore_mem>>) src(%dma_wait3A_79 : memref<10000x128xf32, #tpu.memory_space<hbm>>) dst(%arg10 : memref<128x128xf32, #tpu.memory_space<vmem>>)
      %sub3A_80 = arith.constant 1 : i32
      %sub3A_81 = arith.subi %add3A_66, %sub3A_80 : i32
      %dma_start3A_82 = arith.constant 0 : i32
      %dma_start3A_83 = tpu.memref_slice %arg6[%sub3A_81, %dma_start3A_82] : memref<80x128xi32, #tpu.memory_space<vmem>> -> memref<1x128xi32, #tpu.memory_space<vmem>>
      %dma_start3A_84 = tpu.memref_squeeze %dma_start3A_83 : memref<1x128xi32, #tpu.memory_space<vmem>> -> memref<128xi32, #tpu.memory_space<vmem>>
      %dma_start3A_85 = arith.constant 0 : i32
      %dma_start3A_86 = arith.constant 0 : i32
      %dma_start3A_87 = tpu.memref_slice %arg11[%dma_start3A_85, %dma_start3A_86] : memref<10240x128xf32, #tpu.memory_space<vmem_shared>> -> memref<10240x128xf32, #tpu.memory_space<vmem_shared>>
      tpu.enqueue_indirect_dma source(%arg10 : memref<128x128xf32, #tpu.memory_space<vmem>>) target(%dma_start3A_87 : memref<10240x128xf32, #tpu.memory_space<vmem_shared>>) offsets(%dma_start3A_84 : memref<128xi32, #tpu.memory_space<vmem>>) semaphore(%arg15 : memref<!tpu.dma_semaphore, #tpu.memory_space<semaphore_mem>>) {add = true}
      %sub3A_88 = arith.constant 1 : i32
      %sub3A_89 = arith.subi %add3A_66, %sub3A_88 : i32
      %dma_wait3A_90 = arith.constant 0 : i32
      %dma_wait3A_91 = tpu.memref_slice %arg6[%sub3A_89, %dma_wait3A_90] : memref<80x128xi32, #tpu.memory_space<vmem>> -> memref<1x128xi32, #tpu.memory_space<vmem>>
      %dma_wait3A_92 = tpu.memref_squeeze %dma_wait3A_91 : memref<1x128xi32, #tpu.memory_space<vmem>> -> memref<128xi32, #tpu.memory_space<vmem>>
      %dma_wait3A_93 = arith.constant 0 : i32
      %dma_wait3A_94 = arith.constant 0 : i32
      %dma_wait3A_95 = tpu.memref_slice %arg11[%dma_wait3A_93, %dma_wait3A_94] : memref<10240x128xf32, #tpu.memory_space<vmem_shared>> -> memref<10240x128xf32, #tpu.memory_space<vmem_shared>>
      tpu.wait_indirect_dma semaphore(%arg15 : memref<!tpu.dma_semaphore, #tpu.memory_space<semaphore_mem>>) src(%arg10 : memref<128x128xf32, #tpu.memory_space<vmem>>) dst(%dma_wait3A_95 : memref<10240x128xf32, #tpu.memory_space<vmem_shared>>)
      %add3A_96 = arith.constant 1 : i32
      %add3A_97 = arith.addi %add3A_66, %add3A_96 : i32
      "tpu.region"() ({
        %run_scoped3A_110 = tpu.sem_alloc : memref<!tpu.dma_semaphore, #tpu.memory_space<semaphore_mem>>
        %dma_start3A_111 = arith.constant 0 : i32
        %dma_start3A_112 = arith.constant 0 : i32
        %dma_start3A_113 = tpu.memref_slice %arg3[%add3A, %dma_start3A_111, %dma_start3A_112] : memref<32x80x128xi32, #tpu.memory_space<hbm>> -> memref<1x80x128xi32, #tpu.memory_space<hbm>>
        %dma_start3A_114 = tpu.memref_squeeze %dma_start3A_113 : memref<1x80x128xi32, #tpu.memory_space<hbm>> -> memref<80x128xi32, #tpu.memory_space<hbm>>
        %dma_start3A_115 = arith.constant 0 : i32
        %dma_start3A_116 = tpu.memref_slice %dma_start3A_114[%add3A_97, %dma_start3A_115] : memref<80x128xi32, #tpu.memory_space<hbm>> -> memref<1x128xi32, #tpu.memory_space<hbm>>
        %dma_start3A_117 = tpu.memref_squeeze %dma_start3A_116 : memref<1x128xi32, #tpu.memory_space<hbm>> -> memref<128xi32, #tpu.memory_space<hbm>>
        %dma_start3A_118 = arith.constant 0 : i32
        %dma_start3A_119 = arith.constant 0 : i32
        %dma_start3A_120 = tpu.memref_slice %arg3[%add3A, %dma_start3A_118, %dma_start3A_119] : memref<32x80x128xi32, #tpu.memory_space<hbm>> -> memref<1x80x128xi32, #tpu.memory_space<hbm>>
        %dma_start3A_121 = tpu.memref_squeeze %dma_start3A_120 : memref<1x80x128xi32, #tpu.memory_space<hbm>> -> memref<80x128xi32, #tpu.memory_space<hbm>>
        %dma_start3A_122 = arith.constant 0 : i32
        %dma_start3A_123 = tpu.memref_slice %dma_start3A_121[%add3A_97, %dma_start3A_122] : memref<80x128xi32, #tpu.memory_space<hbm>> -> memref<1x128xi32, #tpu.memory_space<hbm>>
        %dma_start3A_124 = tpu.memref_squeeze %dma_start3A_123 : memref<1x128xi32, #tpu.memory_space<hbm>> -> memref<128xi32, #tpu.memory_space<hbm>>
        tpu.enqueue_dma source(%dma_start3A_124 : memref<128xi32, #tpu.memory_space<hbm>>) target(%arg8 : memref<128xi32, #tpu.memory_space<vmem>>) target_semaphore(%run_scoped3A_110 : memref<!tpu.dma_semaphore, #tpu.memory_space<semaphore_mem>>)
        %dma_wait3A_125 = arith.constant 0 : i32
        %dma_wait3A_126 = arith.constant 0 : i32
        %dma_wait3A_127 = tpu.memref_slice %arg3[%add3A, %dma_wait3A_125, %dma_wait3A_126] : memref<32x80x128xi32, #tpu.memory_space<hbm>> -> memref<1x80x128xi32, #tpu.memory_space<hbm>>
        %dma_wait3A_128 = tpu.memref_squeeze %dma_wait3A_127 : memref<1x80x128xi32, #tpu.memory_space<hbm>> -> memref<80x128xi32, #tpu.memory_space<hbm>>
        %dma_wait3A_129 = arith.constant 0 : i32
        %dma_wait3A_130 = tpu.memref_slice %dma_wait3A_128[%add3A_97, %dma_wait3A_129] : memref<80x128xi32, #tpu.memory_space<hbm>> -> memref<1x128xi32, #tpu.memory_space<hbm>>
        %dma_wait3A_131 = tpu.memref_squeeze %dma_wait3A_130 : memref<1x128xi32, #tpu.memory_space<hbm>> -> memref<128xi32, #tpu.memory_space<hbm>>
        %dma_wait3A_132 = arith.constant 0 : i32
        %dma_wait3A_133 = arith.constant 0 : i32
        %dma_wait3A_134 = tpu.memref_slice %arg3[%add3A, %dma_wait3A_132, %dma_wait3A_133] : memref<32x80x128xi32, #tpu.memory_space<hbm>> -> memref<1x80x128xi32, #tpu.memory_space<hbm>>
        %dma_wait3A_135 = tpu.memref_squeeze %dma_wait3A_134 : memref<1x80x128xi32, #tpu.memory_space<hbm>> -> memref<80x128xi32, #tpu.memory_space<hbm>>
        %dma_wait3A_136 = arith.constant 0 : i32
        %dma_wait3A_137 = tpu.memref_slice %dma_wait3A_135[%add3A_97, %dma_wait3A_136] : memref<80x128xi32, #tpu.memory_space<hbm>> -> memref<1x128xi32, #tpu.memory_space<hbm>>
        %dma_wait3A_138 = tpu.memref_squeeze %dma_wait3A_137 : memref<1x128xi32, #tpu.memory_space<hbm>> -> memref<128xi32, #tpu.memory_space<hbm>>
        tpu.wait_dma2 semaphore(%run_scoped3A_110 : memref<!tpu.dma_semaphore, #tpu.memory_space<semaphore_mem>>) src(%dma_wait3A_138 : memref<128xi32, #tpu.memory_space<hbm>>) dst(%arg8 : memref<128xi32, #tpu.memory_space<vmem>>)
        tpu.yield
      }) : () -> ()
      %dma_start3A_98 = arith.constant 0 : i32
      %dma_start3A_99 = arith.constant 0 : i32
      %dma_start3A_100 = tpu.memref_slice %arg2[%dma_start3A_98, %dma_start3A_99] : memref<10000x128xf32, #tpu.memory_space<hbm>> -> memref<10000x128xf32, #tpu.memory_space<hbm>>
      tpu.enqueue_indirect_dma source(%dma_start3A_100 : memref<10000x128xf32, #tpu.memory_space<hbm>>) target(%arg10 : memref<128x128xf32, #tpu.memory_space<vmem>>) offsets(%arg8 : memref<128xi32, #tpu.memory_space<vmem>>) semaphore(%arg13 : memref<!tpu.dma_semaphore, #tpu.memory_space<semaphore_mem>>)
      %dma_wait3A_101 = arith.constant 0 : i32
      %dma_wait3A_102 = arith.constant 0 : i32
      %dma_wait3A_103 = tpu.memref_slice %arg2[%dma_wait3A_101, %dma_wait3A_102] : memref<10000x128xf32, #tpu.memory_space<hbm>> -> memref<10000x128xf32, #tpu.memory_space<hbm>>
      tpu.wait_indirect_dma semaphore(%arg12 : memref<!tpu.dma_semaphore, #tpu.memory_space<semaphore_mem>>) src(%dma_wait3A_103 : memref<10000x128xf32, #tpu.memory_space<hbm>>) dst(%arg9 : memref<128x128xf32, #tpu.memory_space<vmem>>)
      %dma_start3A_104 = arith.constant 0 : i32
      %dma_start3A_105 = tpu.memref_slice %arg6[%add3A_66, %dma_start3A_104] : memref<80x128xi32, #tpu.memory_space<vmem>> -> memref<1x128xi32, #tpu.memory_space<vmem>>
      %dma_start3A_106 = tpu.memref_squeeze %dma_start3A_105 : memref<1x128xi32, #tpu.memory_space<vmem>> -> memref<128xi32, #tpu.memory_space<vmem>>
      %dma_start3A_107 = arith.constant 0 : i32
      %dma_start3A_108 = arith.constant 0 : i32
      %dma_start3A_109 = tpu.memref_slice %arg11[%dma_start3A_107, %dma_start3A_108] : memref<10240x128xf32, #tpu.memory_space<vmem_shared>> -> memref<10240x128xf32, #tpu.memory_space<vmem_shared>>
      tpu.enqueue_indirect_dma source(%arg9 : memref<128x128xf32, #tpu.memory_space<vmem>>) target(%dma_start3A_109 : memref<10240x128xf32, #tpu.memory_space<vmem_shared>>) offsets(%dma_start3A_106 : memref<128xi32, #tpu.memory_space<vmem>>) semaphore(%arg14 : memref<!tpu.dma_semaphore, #tpu.memory_space<semaphore_mem>>) {add = true}
    }
    %scan3A_32 = arith.constant 39 : i32
    %dma_wait3A_33 = arith.constant 78 : i32
    %dma_wait3A_34 = arith.constant 0 : i32
    %dma_wait3A_35 = tpu.memref_slice %arg6[%dma_wait3A_33, %dma_wait3A_34] : memref<80x128xi32, #tpu.memory_space<vmem>> -> memref<1x128xi32, #tpu.memory_space<vmem>>
    %dma_wait3A_36 = tpu.memref_squeeze %dma_wait3A_35 : memref<1x128xi32, #tpu.memory_space<vmem>> -> memref<128xi32, #tpu.memory_space<vmem>>
    %dma_wait3A_37 = arith.constant 0 : i32
    %dma_wait3A_38 = arith.constant 0 : i32
    %dma_wait3A_39 = tpu.memref_slice %arg11[%dma_wait3A_37, %dma_wait3A_38] : memref<10240x128xf32, #tpu.memory_space<vmem_shared>> -> memref<10240x128xf32, #tpu.memory_space<vmem_shared>>
    tpu.wait_indirect_dma semaphore(%arg14 : memref<!tpu.dma_semaphore, #tpu.memory_space<semaphore_mem>>) src(%arg9 : memref<128x128xf32, #tpu.memory_space<vmem>>) dst(%dma_wait3A_39 : memref<10240x128xf32, #tpu.memory_space<vmem_shared>>)
    %dma_wait3A_40 = arith.constant 0 : i32
    %dma_wait3A_41 = arith.constant 0 : i32
    %dma_wait3A_42 = tpu.memref_slice %arg2[%dma_wait3A_40, %dma_wait3A_41] : memref<10000x128xf32, #tpu.memory_space<hbm>> -> memref<10000x128xf32, #tpu.memory_space<hbm>>
    tpu.wait_indirect_dma semaphore(%arg13 : memref<!tpu.dma_semaphore, #tpu.memory_space<semaphore_mem>>) src(%dma_wait3A_42 : memref<10000x128xf32, #tpu.memory_space<hbm>>) dst(%arg10 : memref<128x128xf32, #tpu.memory_space<vmem>>)
    %dma_start3A_43 = arith.constant 79 : i32
    %dma_start3A_44 = arith.constant 0 : i32
    %dma_start3A_45 = tpu.memref_slice %arg6[%dma_start3A_43, %dma_start3A_44] : memref<80x128xi32, #tpu.memory_space<vmem>> -> memref<1x128xi32, #tpu.memory_space<vmem>>
    %dma_start3A_46 = tpu.memref_squeeze %dma_start3A_45 : memref<1x128xi32, #tpu.memory_space<vmem>> -> memref<128xi32, #tpu.memory_space<vmem>>
    %dma_start3A_47 = arith.constant 0 : i32
    %dma_start3A_48 = arith.constant 0 : i32
    %dma_start3A_49 = tpu.memref_slice %arg11[%dma_start3A_47, %dma_start3A_48] : memref<10240x128xf32, #tpu.memory_space<vmem_shared>> -> memref<10240x128xf32, #tpu.memory_space<vmem_shared>>
    tpu.enqueue_indirect_dma source(%arg10 : memref<128x128xf32, #tpu.memory_space<vmem>>) target(%dma_start3A_49 : memref<10240x128xf32, #tpu.memory_space<vmem_shared>>) offsets(%dma_start3A_46 : memref<128xi32, #tpu.memory_space<vmem>>) semaphore(%arg15 : memref<!tpu.dma_semaphore, #tpu.memory_space<semaphore_mem>>) {add = true}
    %dma_wait3A_50 = arith.constant 79 : i32
    %dma_wait3A_51 = arith.constant 0 : i32
    %dma_wait3A_52 = tpu.memref_slice %arg6[%dma_wait3A_50, %dma_wait3A_51] : memref<80x128xi32, #tpu.memory_space<vmem>> -> memref<1x128xi32, #tpu.memory_space<vmem>>
    %dma_wait3A_53 = tpu.memref_squeeze %dma_wait3A_52 : memref<1x128xi32, #tpu.memory_space<vmem>> -> memref<128xi32, #tpu.memory_space<vmem>>
    %dma_wait3A_54 = arith.constant 0 : i32
    %dma_wait3A_55 = arith.constant 0 : i32
    %dma_wait3A_56 = tpu.memref_slice %arg11[%dma_wait3A_54, %dma_wait3A_55] : memref<10240x128xf32, #tpu.memory_space<vmem_shared>> -> memref<10240x128xf32, #tpu.memory_space<vmem_shared>>
    tpu.wait_indirect_dma semaphore(%arg15 : memref<!tpu.dma_semaphore, #tpu.memory_space<semaphore_mem>>) src(%arg10 : memref<128x128xf32, #tpu.memory_space<vmem>>) dst(%dma_wait3A_56 : memref<10240x128xf32, #tpu.memory_space<vmem_shared>>)
    %barrier3A_57 = arith.constant 0 : index
    tpu.barrier barrier_id(%barrier3A_57)
    "tpu.region"() ({
      %run_scoped3A_58 = tpu.sem_alloc : memref<!tpu.dma_semaphore, #tpu.memory_space<semaphore_mem>>
      %dma_start3A_59 = arith.constant 0 : i32
      %dma_start3A_60 = arith.constant 0 : i32
      %dma_start3A_61 = tpu.memref_slice %arg5[%arg0, %dma_start3A_59, %dma_start3A_60] : memref<2x10240x128xf32, #tpu.memory_space<hbm>> -> memref<1x10240x128xf32, #tpu.memory_space<hbm>>
      %dma_start3A_62 = tpu.memref_squeeze %dma_start3A_61 : memref<1x10240x128xf32, #tpu.memory_space<hbm>> -> memref<10240x128xf32, #tpu.memory_space<hbm>>
      %dma_start3A_63 = arith.constant 0 : i32
      %dma_start3A_64 = tpu.memref_slice %dma_start3A_62[%mul3A_7, %dma_start3A_63] : memref<10240x128xf32, #tpu.memory_space<hbm>> -> memref<640x128xf32, #tpu.memory_space<hbm>>
      %dma_start3A_65 = arith.constant 0 : i32
      %dma_start3A_66 = tpu.memref_slice %arg11[%mul3A_7, %dma_start3A_65] : memref<10240x128xf32, #tpu.memory_space<vmem_shared>> -> memref<640x128xf32, #tpu.memory_space<vmem_shared>>
      tpu.enqueue_dma source(%dma_start3A_66 : memref<640x128xf32, #tpu.memory_space<vmem_shared>>) target(%dma_start3A_64 : memref<640x128xf32, #tpu.memory_space<hbm>>) target_semaphore(%run_scoped3A_58 : memref<!tpu.dma_semaphore, #tpu.memory_space<semaphore_mem>>)
      %dma_wait3A_67 = arith.constant 0 : i32
      %dma_wait3A_68 = arith.constant 0 : i32
      %dma_wait3A_69 = tpu.memref_slice %arg5[%arg0, %dma_wait3A_67, %dma_wait3A_68] : memref<2x10240x128xf32, #tpu.memory_space<hbm>> -> memref<1x10240x128xf32, #tpu.memory_space<hbm>>
      %dma_wait3A_70 = tpu.memref_squeeze %dma_wait3A_69 : memref<1x10240x128xf32, #tpu.memory_space<hbm>> -> memref<10240x128xf32, #tpu.memory_space<hbm>>
      %dma_wait3A_71 = arith.constant 0 : i32
      %dma_wait3A_72 = tpu.memref_slice %dma_wait3A_70[%mul3A_7, %dma_wait3A_71] : memref<10240x128xf32, #tpu.memory_space<hbm>> -> memref<640x128xf32, #tpu.memory_space<hbm>>
      %dma_wait3A_73 = arith.constant 0 : i32
      %dma_wait3A_74 = tpu.memref_slice %arg11[%mul3A_7, %dma_wait3A_73] : memref<10240x128xf32, #tpu.memory_space<vmem_shared>> -> memref<640x128xf32, #tpu.memory_space<vmem_shared>>
      tpu.wait_dma2 semaphore(%run_scoped3A_58 : memref<!tpu.dma_semaphore, #tpu.memory_space<semaphore_mem>>) src(%dma_wait3A_74 : memref<640x128xf32, #tpu.memory_space<vmem_shared>>) dst(%dma_wait3A_72 : memref<640x128xf32, #tpu.memory_space<hbm>>)
      tpu.yield
    }) : () -> ()
    return
  }
}

module attributes {stable_mosaic.version = 14 : i64} {
  func.func @body(%arg0: memref<10000x128xf32, #tpu.memory_space<vmem>>, %arg1: memref<2x10240x16xf32, #tpu.memory_space<vmem>>, %arg2: memref<10000x128xf32, #tpu.memory_space<vmem>>, %arg3: memref<10000x1xf32, #tpu.memory_space<vmem>>) attributes {dimension_semantics = [], scalar_prefetch = 0 : i64, scratch_operands = 0 : i64, tpu.core_type = #tpu.core_type<tc>} {
    %get3A = arith.constant 0 : index
    %get3A_0 = arith.constant 0 : index
    %get3A_1 = arith.constant 0 : index
    %get3A_2 = vector.load %arg1[%get3A, %get3A_0, %get3A_1] : memref<2x10240x16xf32, #tpu.memory_space<vmem>>, vector<1x10000x1xf32>
    %get3A_3 = vector.shape_cast %get3A_2 : vector<1x10000x1xf32> to vector<10000x1xf32>
    %get3A_4 = arith.constant 1 : index
    %get3A_5 = arith.constant 0 : index
    %get3A_6 = arith.constant 0 : index
    %get3A_7 = vector.load %arg1[%get3A_4, %get3A_5, %get3A_6] : memref<2x10240x16xf32, #tpu.memory_space<vmem>>, vector<1x10000x1xf32>
    %get3A_8 = vector.shape_cast %get3A_7 : vector<1x10000x1xf32> to vector<10000x1xf32>
    %add3A = arith.addf %get3A_3, %get3A_8 : vector<10000x1xf32>
    %add3A_9 = arith.constant 1.000000e+00 : f32
    %add3A_10 = vector.broadcast %add3A_9 : f32 to vector<10000x1xf32>
    %add3A_11 = arith.addf %add3A, %add3A_10 : vector<10000x1xf32>
    %rsqrt3A = math.rsqrt %add3A_11 : vector<10000x1xf32>
    %swap3A = arith.constant 0 : index
    %swap3A_12 = arith.constant 0 : index
    %swap3A_13 = vector.load %arg3[%swap3A, %swap3A_12] : memref<10000x1xf32, #tpu.memory_space<vmem>>, vector<10000x1xf32>
    tpu.vector_store %arg3[%swap3A, %swap3A_12], %rsqrt3A {strides = array<i32>} : memref<10000x1xf32, #tpu.memory_space<vmem>>, vector<10000x1xf32>,
    %get3A_14 = arith.constant 0 : index
    %get3A_15 = arith.constant 0 : index
    %get3A_16 = vector.load %arg0[%get3A_14, %get3A_15] : memref<10000x128xf32, #tpu.memory_space<vmem>>, vector<10000x128xf32>
    %mul3A = vector.broadcast %rsqrt3A : vector<10000x1xf32> to vector<10000x128xf32>
    %mul3A_17 = arith.mulf %get3A_16, %mul3A : vector<10000x128xf32>
    %swap3A_18 = arith.constant 0 : index
    %swap3A_19 = arith.constant 0 : index
    %swap3A_20 = vector.load %arg2[%swap3A_18, %swap3A_19] : memref<10000x128xf32, #tpu.memory_space<vmem>>, vector<10000x128xf32>
    tpu.vector_store %arg2[%swap3A_18, %swap3A_19], %mul3A_17 {strides = array<i32>} : memref<10000x128xf32, #tpu.memory_space<vmem>>, vector<10000x128xf32>,
    return
  }
}

module attributes {stable_mosaic.version = 14 : i64} {
  func.func @body(%arg0: memref<10000x128xf32, #tpu.memory_space<vmem>>, %arg1: memref<128x128xf32, #tpu.memory_space<vmem>>, %arg2: memref<10000x128xf32, #tpu.memory_space<vmem>>) attributes {dimension_semantics = [], scalar_prefetch = 0 : i64, scratch_operands = 0 : i64, tpu.core_type = #tpu.core_type<tc>} {
    %get3A = arith.constant 0 : index
    %get3A_0 = arith.constant 0 : index
    %get3A_1 = vector.load %arg0[%get3A, %get3A_0] : memref<10000x128xf32, #tpu.memory_space<vmem>>, vector<10000x128xf32>
    %get3A_2 = arith.constant 0 : index
    %get3A_3 = arith.constant 0 : index
    %get3A_4 = vector.load %arg1[%get3A_2, %get3A_3] : memref<128x128xf32, #tpu.memory_space<vmem>>, vector<128x128xf32>
    %dot_general3A = arith.constant dense<0.000000e+00> : vector<10000x128xf32>
    %dot_general3A_5 = tpu.matmul %get3A_1, %get3A_4, %dot_general3A {dimension_numbers = #tpu.dot_dimension_numbers<[1], [0], [0], [1], [0, 0, 1, 1], [], []>, transpose_lhs_hint = false} : vector<10000x128xf32>, vector<128x128xf32>, vector<10000x128xf32> -> vector<10000x128xf32>
    %swap3A = arith.constant 0 : index
    %swap3A_6 = arith.constant 0 : index
    %swap3A_7 = vector.load %arg2[%swap3A, %swap3A_6] : memref<10000x128xf32, #tpu.memory_space<vmem>>, vector<10000x128xf32>
    tpu.vector_store %arg2[%swap3A, %swap3A_6], %dot_general3A_5 {strides = array<i32>} : memref<10000x128xf32, #tpu.memory_space<vmem>>, vector<10000x128xf32>,
    return
  }
}

module attributes {stable_mosaic.version = 14 : i64} {
  func.func @body(%arg0: memref<2x10240x128xf32, #tpu.memory_space<vmem>>, %arg1: memref<10000x128xf32, #tpu.memory_space<vmem>>, %arg2: memref<10000x1xf32, #tpu.memory_space<vmem>>, %arg3: memref<1x128xf32, #tpu.memory_space<vmem>>, %arg4: memref<128x128xf32, #tpu.memory_space<vmem>>, %arg5: memref<10000x128xf32, #tpu.memory_space<vmem>>) attributes {dimension_semantics = [], scalar_prefetch = 0 : i64, scratch_operands = 0 : i64, tpu.core_type = #tpu.core_type<tc>} {
    %get3A = arith.constant 0 : index
    %get3A_0 = arith.constant 0 : index
    %get3A_1 = arith.constant 0 : index
    %get3A_2 = vector.load %arg0[%get3A, %get3A_0, %get3A_1] : memref<2x10240x128xf32, #tpu.memory_space<vmem>>, vector<1x10000x128xf32>
    %get3A_3 = vector.shape_cast %get3A_2 : vector<1x10000x128xf32> to vector<10000x128xf32>
    %get3A_4 = arith.constant 1 : index
    %get3A_5 = arith.constant 0 : index
    %get3A_6 = arith.constant 0 : index
    %get3A_7 = vector.load %arg0[%get3A_4, %get3A_5, %get3A_6] : memref<2x10240x128xf32, #tpu.memory_space<vmem>>, vector<1x10000x128xf32>
    %get3A_8 = vector.shape_cast %get3A_7 : vector<1x10000x128xf32> to vector<10000x128xf32>
    %add3A = arith.addf %get3A_3, %get3A_8 : vector<10000x128xf32>
    %get3A_9 = arith.constant 0 : index
    %get3A_10 = arith.constant 0 : index
    %get3A_11 = vector.load %arg1[%get3A_9, %get3A_10] : memref<10000x128xf32, #tpu.memory_space<vmem>>, vector<10000x128xf32>
    %add3A_12 = arith.addf %add3A, %get3A_11 : vector<10000x128xf32>
    %get3A_13 = arith.constant 0 : index
    %get3A_14 = arith.constant 0 : index
    %get3A_15 = vector.load %arg2[%get3A_13, %get3A_14] : memref<10000x1xf32, #tpu.memory_space<vmem>>, vector<10000x1xf32>
    %mul3A = vector.broadcast %get3A_15 : vector<10000x1xf32> to vector<10000x128xf32>
    %mul3A_16 = arith.mulf %add3A_12, %mul3A : vector<10000x128xf32>
    %get3A_17 = arith.constant 0 : index
    %get3A_18 = arith.constant 0 : index
    %get3A_19 = vector.load %arg3[%get3A_17, %get3A_18] : memref<1x128xf32, #tpu.memory_space<vmem>>, vector<1x128xf32>
    %add3A_20 = vector.broadcast %get3A_19 : vector<1x128xf32> to vector<10000x128xf32>
    %add3A_21 = arith.addf %mul3A_16, %add3A_20 : vector<10000x128xf32>
    %gt3A = arith.constant 0.000000e+00 : f32
    %gt3A_22 = vector.broadcast %gt3A : f32 to vector<10000x128xf32>
    %gt3A_23 = arith.cmpf ogt, %add3A_21, %gt3A_22 : vector<10000x128xf32>
    %min3A = arith.constant 0.000000e+00 : f32
    %min3A_24 = vector.broadcast %min3A : f32 to vector<10000x128xf32>
    %min3A_25 = arith.minimumf %add3A_21, %min3A_24 : vector<10000x128xf32>
    %exp3A = math.exp %min3A_25 : vector<10000x128xf32>
    %sub3A = arith.constant 1.000000e+00 : f32
    %sub3A_26 = vector.broadcast %sub3A : f32 to vector<10000x128xf32>
    %sub3A_27 = arith.subf %exp3A, %sub3A_26 : vector<10000x128xf32>
    %select_n3A = arith.select %gt3A_23, %add3A_21, %sub3A_27 : vector<10000x128xi1>, vector<10000x128xf32>
    %get3A_28 = arith.constant 0 : index
    %get3A_29 = arith.constant 0 : index
    %get3A_30 = vector.load %arg4[%get3A_28, %get3A_29] : memref<128x128xf32, #tpu.memory_space<vmem>>, vector<128x128xf32>
    %dot_general3A = arith.constant dense<0.000000e+00> : vector<10000x128xf32>
    %dot_general3A_31 = tpu.matmul %select_n3A, %get3A_30, %dot_general3A {dimension_numbers = #tpu.dot_dimension_numbers<[1], [0], [0], [1], [0, 0, 1, 1], [], []>, transpose_lhs_hint = false} : vector<10000x128xf32>, vector<128x128xf32>, vector<10000x128xf32> -> vector<10000x128xf32>
    %get3A_32 = arith.constant 0 : index
    %get3A_33 = arith.constant 0 : index
    %get3A_34 = vector.load %arg2[%get3A_32, %get3A_33] : memref<10000x1xf32, #tpu.memory_space<vmem>>, vector<10000x1xf32>
    %mul3A_35 = vector.broadcast %get3A_34 : vector<10000x1xf32> to vector<10000x128xf32>
    %mul3A_36 = arith.mulf %dot_general3A_31, %mul3A_35 : vector<10000x128xf32>
    %swap3A = arith.constant 0 : index
    %swap3A_37 = arith.constant 0 : index
    %swap3A_38 = vector.load %arg5[%swap3A, %swap3A_37] : memref<10000x128xf32, #tpu.memory_space<vmem>>, vector<10000x128xf32>
    tpu.vector_store %arg5[%swap3A, %swap3A_37], %mul3A_36 {strides = array<i32>} : memref<10000x128xf32, #tpu.memory_space<vmem>>, vector<10000x128xf32>,
    return
  }
}

module attributes {stable_mosaic.version = 14 : i64} {
  func.func @body(%arg0: memref<2x10240x128xf32, #tpu.memory_space<vmem>>, %arg1: memref<10000x128xf32, #tpu.memory_space<vmem>>, %arg2: memref<10000x1xf32, #tpu.memory_space<vmem>>, %arg3: memref<1x128xf32, #tpu.memory_space<vmem>>, %arg4: memref<10000x128xf32, #tpu.memory_space<vmem>>) attributes {dimension_semantics = [], scalar_prefetch = 0 : i64, scratch_operands = 0 : i64, tpu.core_type = #tpu.core_type<tc>} {
    %get3A = arith.constant 0 : index
    %get3A_0 = arith.constant 0 : index
    %get3A_1 = arith.constant 0 : index
    %get3A_2 = vector.load %arg0[%get3A, %get3A_0, %get3A_1] : memref<2x10240x128xf32, #tpu.memory_space<vmem>>, vector<1x10000x128xf32>
    %get3A_3 = vector.shape_cast %get3A_2 : vector<1x10000x128xf32> to vector<10000x128xf32>
    %get3A_4 = arith.constant 1 : index
    %get3A_5 = arith.constant 0 : index
    %get3A_6 = arith.constant 0 : index
    %get3A_7 = vector.load %arg0[%get3A_4, %get3A_5, %get3A_6] : memref<2x10240x128xf32, #tpu.memory_space<vmem>>, vector<1x10000x128xf32>
    %get3A_8 = vector.shape_cast %get3A_7 : vector<1x10000x128xf32> to vector<10000x128xf32>
    %add3A = arith.addf %get3A_3, %get3A_8 : vector<10000x128xf32>
    %get3A_9 = arith.constant 0 : index
    %get3A_10 = arith.constant 0 : index
    %get3A_11 = vector.load %arg1[%get3A_9, %get3A_10] : memref<10000x128xf32, #tpu.memory_space<vmem>>, vector<10000x128xf32>
    %add3A_12 = arith.addf %add3A, %get3A_11 : vector<10000x128xf32>
    %get3A_13 = arith.constant 0 : index
    %get3A_14 = arith.constant 0 : index
    %get3A_15 = vector.load %arg2[%get3A_13, %get3A_14] : memref<10000x1xf32, #tpu.memory_space<vmem>>, vector<10000x1xf32>
    %mul3A = vector.broadcast %get3A_15 : vector<10000x1xf32> to vector<10000x128xf32>
    %mul3A_16 = arith.mulf %add3A_12, %mul3A : vector<10000x128xf32>
    %get3A_17 = arith.constant 0 : index
    %get3A_18 = arith.constant 0 : index
    %get3A_19 = vector.load %arg3[%get3A_17, %get3A_18] : memref<1x128xf32, #tpu.memory_space<vmem>>, vector<1x128xf32>
    %add3A_20 = vector.broadcast %get3A_19 : vector<1x128xf32> to vector<10000x128xf32>
    %add3A_21 = arith.addf %mul3A_16, %add3A_20 : vector<10000x128xf32>
    %gt3A = arith.constant 0.000000e+00 : f32
    %gt3A_22 = vector.broadcast %gt3A : f32 to vector<10000x128xf32>
    %gt3A_23 = arith.cmpf ogt, %add3A_21, %gt3A_22 : vector<10000x128xf32>
    %min3A = arith.constant 0.000000e+00 : f32
    %min3A_24 = vector.broadcast %min3A : f32 to vector<10000x128xf32>
    %min3A_25 = arith.minimumf %add3A_21, %min3A_24 : vector<10000x128xf32>
    %exp3A = math.exp %min3A_25 : vector<10000x128xf32>
    %sub3A = arith.constant 1.000000e+00 : f32
    %sub3A_26 = vector.broadcast %sub3A : f32 to vector<10000x128xf32>
    %sub3A_27 = arith.subf %exp3A, %sub3A_26 : vector<10000x128xf32>
    %select_n3A = arith.select %gt3A_23, %add3A_21, %sub3A_27 : vector<10000x128xi1>, vector<10000x128xf32>
    %swap3A = arith.constant 0 : index
    %swap3A_28 = arith.constant 0 : index
    %swap3A_29 = vector.load %arg4[%swap3A, %swap3A_28] : memref<10000x128xf32, #tpu.memory_space<vmem>>, vector<10000x128xf32>
    tpu.vector_store %arg4[%swap3A, %swap3A_28], %select_n3A {strides = array<i32>} : memref<10000x128xf32, #tpu.memory_space<vmem>>, vector<10000x128xf32>,
    return
  }
}

</mosaic_0001>

<sc_bundles>
// kernel: kernel.12.cloned.1.call-start
scs
__scs_entry_jumppad:
0x0: {  	(pc) =	sbr.rel $0x88, $3  }
0x1: {  	(tag) =	ssettag $0x0;
	lr =	simm.s32 $0x1  }
0x2: {  	[smem:$0x3F9B] =	sst lr;
	_ =	strace $0xD0000000  }
0x3: {  	_ = 	snop  }
0x4: {  	_ = 	snop  }
0x5: {  	_ = 	snop  }
0x6: {  	_ = 	snop  }
0x7: {  	_ = 	snop  }
__scs_overlays_trampoline_lowered:
0x8: {  	[smem:$0x3FAA] =	sst s0  }
0x9: {  	[smem:$0x3FAB] =	sst s1  }
0xa: {  	[smem:$0x3FAC] =	sst s2  }
0xb: {  	[smem:$0x3FAD] =	sst s3  }
0xc: {  	[smem:$0x3FAE] =	sst s4  }
0xd: {  	[smem:$0x3FAF] =	sst s5  }
0xe: {  	[smem:$0x3FB0] =	sst s6  }
0xf: {  	[smem:$0x3FB1] =	sst s7  }
0x10: {  	[smem:$0x3FB2] =	sst s8  }
0x11: {  	[smem:$0x3FB3] =	sst s9;
	s0 =	simm.s32 @!p0 $0x0  }
0x12: {  	s1 =	sld [smem:$0x3F99];
	s0 =	simm.s32 @p0 $0x1  }
0x13: {  	[smem:$0x3FB4] =	sst s0;
	s0 =	simm.s32 @!p1 $0x0  }
0x14: {  	s2 =	sld [smem:$0x3F98];
	s0 =	simm.s32 @p1 $0x1  }
0x15: {  	[smem:$0x3FB5] =	sst s0;
	s0 =	simm.s32 @!p2 $0x0  }
0x16: {  	s3 =	sld [smem:$0x3FDB];
	s0 =	simm.s32 @p2 $0x1  }
0x17: {  	s4 =	simm.s32 $0x1BF5;
	[smem:$0x3FB7] =	sst s0  }
0x18: {  	s0 =	sld [smem:$0x3F9A];
	_ =	swait.ge [sflag:s4], $0x0  }
0x19: {  	s7 =	sld [smem:$0x3F9B]  }
0x1a: {  	s8 =	sadd.s32 $0xFFFFE003, lr  }
0x1b: {  	s9 =	sadd.s32 $0xFFFFFEF7, lr;
	s5 =	simm.s32 $0xFFFFFFFF;
	p2 =	slt.u32 s8, $0xFFFFF086  }
0x1c: {  	p1 =	slt.u32 s9, $0xF7A;
	s5 =	simm.s32 @!p2 $0x0  }
0x1d: {  	s5 =	simm.s32 @p1 $0x1;
	p0 =	seq.s32 s7, s2  }
0x1e: {  	s7 =	smul.u32 @!p0 $0xF7A, s2;
	p2 =	seq.s32 @!p0 s5, $0x0  }
0x1f: {  	s9 =	smul.u32 $0xF7A, s1;
	s8 =	simm.s32 @!p0 $0x1BF5;
	p2 =	por !p2, p0  }
0x20: {  	[sflag:s8] =	ssyncset.s32 @!p0 $0xFFFFF086;
	s6 =	sadd.s32 @!p0 s3, s7;
	s7 =	simm.s32 @!p0 $0x108  }
0x21: {  	s3 =	sadd.s32 s3, s9;
	s6 =	sadd.s32 @!p0 $0x88, s6;
	s7 =	simm.s32 @p2 $0x1082  }
0x22: {  	[simem:s7], [sflag:s8] =	dma.local @!p0 [hbm:s6], $0xF7A  }
0x23: {  	s9 =	sor.u32 $0xD0000000, s2;
	s6 =	simm.s32 $0x108;
	_ =	swait.ge @!p0 [sflag:s8], $0x0  }
0x24: {  	s3 =	sadd.s32 $0x88, s3;
	s6 =	simm.s32 @!p1 $0x1082;
	[sflag:s4] =	ssyncset.s32 $0xFFFFF086  }
0x25: {  	[simem:s6], [sflag:s4] =	dma.local [hbm:s3], $0xF7A  }
0x26: {  	[smem:$0x3F9B] =	sst s1;
	(tag) =	ssettag s2;
	_ =	strace s9  }
0x27: {  	s1 =	sld [smem:$0x3FAB]  }
0x28: {  	s2 =	sld [smem:$0x3FAC]  }
0x29: {  	s4 =	sld [smem:$0x3FAE]  }
0x2a: {  	p0 =	seq.s32 s5, $0x0;
	s5 =	sld [smem:$0x3FAF]  }
0x2b: {  	s6 =	sld [smem:$0x3FB0]  }
0x2c: {  	s7 =	sld [smem:$0x3FB1]  }
0x2d: {  	s3 =	simm.s32 $0x108;
	s8 =	sld [smem:$0x3FB2]  }
0x2e: {  	s3 =	simm.s32 @!p0 $0x1082;
	s9 =	sld [smem:$0x3FB3]  }
0x2f: {  	lr =	sadd.s32 s0, s3;
	s0 =	sld [smem:$0x3FAA]  }
0x30: {  	s3 =	sld [smem:$0x3FAD]  }
0x31: {  	[smem:$0x3FB6] =	sst s10  }
0x32: {  	s10 =	sld [smem:$0x3FB4];
	_ =	sdelay $0x3  }
0x33: {  	p0 =	seq.s32 s10, $0x1;
	s10 =	sld [smem:$0x3FB6];
	_ =	sdelay $0x3  }
0x34: {  	[smem:$0x3FB6] =	sst s10  }
0x35: {  	s10 =	sld [smem:$0x3FB5];
	_ =	sdelay $0x3  }
0x36: {  	p1 =	seq.s32 s10, $0x1;
	s10 =	sld [smem:$0x3FB6];
	_ =	sdelay $0x3  }
0x37: {  	[smem:$0x3FB6] =	sst s10  }
0x38: {  	s10 =	sld [smem:$0x3FB7]  }
0x39: {  	_ = 	snop;
	(pc) =	sbr.ind lr, $3  }
0x3a: {  	_ = 	snop  }
0x3b: {  	_ = 	snop  }
0x3c: {  	p2 =	seq.s32 s10, $0x1;
	s10 =	sld [smem:$0x3FB6]  }
0x3d: {  	_ =	shalt  }
0x3e: {  	_ =	shalt  }
0x3f: {  	_ =	shalt  }
0x40: {  	_ =	shalt  }
0x41: {  	_ =	shalt  }
0x42: {  	_ =	shalt  }
0x43: {  	_ =	shalt  }
0x44: {  	_ =	shalt  }
0x45: {  	_ =	shalt  }
0x46: {  	_ =	shalt  }
0x47: {  	_ =	shalt  }
0x48: {  	_ =	shalt  }
0x49: {  	_ =	shalt  }
0x4a: {  	_ =	shalt  }
0x4b: {  	_ =	shalt  }
0x4c: {  	_ =	shalt  }
0x4d: {  	_ =	shalt  }
0x4e: {  	_ =	shalt  }
0x4f: {  	_ =	shalt  }
0x50: {  	_ =	shalt  }
0x51: {  	_ =	shalt  }
0x52: {  	_ =	shalt  }
0x53: {  	_ =	shalt  }
0x54: {  	_ =	shalt  }
0x55: {  	_ =	shalt  }
0x56: {  	_ =	shalt  }
0x57: {  	_ =	shalt  }
0x58: {  	_ =	shalt  }
0x59: {  	_ =	shalt  }
0x5a: {  	_ =	shalt  }
0x5b: {  	_ =	shalt  }
0x5c: {  	_ =	shalt  }
0x5d: {  	_ =	shalt  }
0x5e: {  	_ =	shalt  }
0x5f: {  	_ =	shalt  }
0x60: {  	_ =	shalt  }
0x61: {  	_ =	shalt  }
0x62: {  	_ =	shalt  }
0x63: {  	_ =	shalt  }
0x64: {  	_ =	shalt  }
0x65: {  	_ =	shalt  }
0x66: {  	_ =	shalt  }
0x67: {  	_ =	shalt  }
0x68: {  	_ =	shalt  }
0x69: {  	_ =	shalt  }
0x6a: {  	_ =	shalt  }
0x6b: {  	_ =	shalt  }
0x6c: {  	_ =	shalt  }
0x6d: {  	_ =	shalt  }
0x6e: {  	_ =	shalt  }
0x6f: {  	_ =	shalt  }
0x70: {  	_ =	shalt  }
0x71: {  	_ =	shalt  }
0x72: {  	_ =	shalt  }
0x73: {  	_ =	shalt  }
0x74: {  	_ =	shalt  }
0x75: {  	_ =	shalt  }
0x76: {  	_ =	shalt  }
0x77: {  	_ =	shalt  }
0x78: {  	_ =	shalt  }
0x79: {  	_ =	shalt  }
0x7a: {  	_ =	shalt  }
0x7b: {  	_ =	shalt  }
0x7c: {  	_ =	shalt  }
0x7d: {  	_ =	shalt  }
0x7e: {  	_ =	shalt  }
0x7f: {  	_ =	shalt  }
0x80: {  	_ =	shalt  }
0x81: {  	_ =	shalt  }
0x82: {  	_ =	shalt  }
0x83: {  	_ =	shalt  }
0x84: {  	_ =	shalt  }
0x85: {  	_ =	shalt  }
0x86: {  	_ =	shalt  }
0x87: {  	_ =	shalt  }
.Lfunc_end0:
.L_simem_size_0:
called_computation.1_lowered:
.L_overlay_start_0:
0x88: {  	s2 =	sld [smem:$0x3FD9]  }
0x89: {  	s3 =	sld [smem:$0x3FFE];
	_ =	sdelay $0x1  }
0x8a: {  	s1 =	srdreg.scid  }
0x8b: {  	s0 =	sand.u32 $0x1, s1  }
0x8c: {  	s17 =	sshll.u32 s0, $0xA;
	s2 =	sadd.s32 s3, s2  }
0x8d: {  	s2 =	sadd.s32 s2, s17  }
0x8e: {  	[smem:$0x3FC2] =	sst s2  }
0x8f: {  	_ = 	snop  }
0x90: {  	s2 =	sld [smem:$0x3FD0];
	(tm) =	ssettm $0x1  }
0x91: {  	s18 =	sld [smem:$0x3FFB];
	_ =	sdelay $0x3  }
0x92: {  	_ =	strace s18  }
0x93: {  	s3 =	sld [smem:$0x3FFC];
	_ =	sdelay $0x3  }
0x94: {  	_ =	strace s3  }
0x95: {  	s3 =	sld [smem:$0x3FFD];
	_ =	sdelay $0x3  }
0x96: {  	_ =	strace s3  }
0x97: {  	_ =	strace $0x8FFFFFFF  }
0x98: {  	s19 =	sld [smem:$0x3FDB];
	_ =	sdelay $0x1  }
0x99: {  	s4 =	simm.s32 $_scs_section_size  }
0x9a: {  	s5 =	simm.s32 $_size__tile_overlayer_lowered;
	s6 =	simm.s32 $_tile_overlayer_lowered  }
0x9b: {  	s22 =	simm.s32 $0x1BFF;
	s21 =	sshll.u32 s6, $0x1;
	s3 =	sadd.s32 s4, s19  }
0x9c: {  	s7 =	simm.s32 $0x0;
	s20 =	sshll.u32 s5, $0x1;
	s5 =	sadd.s32 s21, s3  }
0x9d: {  	[timem:s7], [sflag:s22] =	dma.local [hbm:s5], s20  }
0x9e: {  	_ =	swait.ge [sflag:s22], s20  }
0x9f: {  	s4 =	ssub.s32 $0x0, s20;
	[sflag:s22] =	ssyncset.done $0x0  }
0xa0: {  	[sflag:s22] =	ssyncadd.s32 s4;
	_ =	sdelay $0x1  }
0xa1: {  	s23 =	simm.s32 $0x1B8B  }
0xa2: {  	_ =	swait.ge [sflag:s23], $0x1  }
0xa3: {  	[sflag:s23] =	ssyncset.done $0x0  }
0xa4: {  	s25 =	simm.s32 $0x1B8E;
	s24 =	sld [smem:$0x3FFE];
	[sflag:s23] =	ssyncadd.s32 $0xFFFFFFFF  }
0xa5: {  	s26 =	simm.s32 $execute0_lowered;
	[smem:$0x3FD2] =	sst s25  }
0xa6: {  	s5 =	sshll.u32 s26, $0x1;
	_ =	strace $0x80000049;
	[dreg:$0x1] =	wrdreg $0xFFFFFFFF  }
0xa7: {  	s28 =	simm.s32 $_size_execute0_lowered;
	s3 =	sadd.s32 s3, s5;
	[dreg:$0x0] =	wrdreg $0x0  }
0xa8: {  	s5 =	sshll.u32 s28, $0x1;
	[dreg:$0x2] =	wrdreg s3  }
0xa9: {  	[dreg:$0x3] =	wrdreg s5  }
0xaa: {  	[dreg:$0x4] =	wrdreg $0xC0  }
0xab: {  	_ =	task [dreg:s7], $0x5FFFF  }
0xac: {  	[dreg:$0x1] =	wrdreg $0xFFFFFFFF  }
0xad: {  	[dreg:$0x0] =	wrdreg $0x60  }
0xae: {  	[dreg:$0x2] =	wrdreg s2  }
0xaf: {  	[dreg:$0x3] =	wrdreg s24  }
0xb0: {  	[dreg:$0x4] =	wrdreg $0xA9000  }
0xb1: {  	[dreg:$0x5] =	wrdreg $0x9  }
0xb2: {  	_ =	task.clear_ibuf [dreg:s7], $0x6FFFF;
	_ =	strace $0x90000049  }
0xb3: {  	s29 =	simm.s32 $0x9;
	_ =	strace $0x8000004B  }
0xb4: {  	_ =	swait.ge [sflag:s29], $0x1  }
0xb5: {  	[sflag:s29] =	ssyncadd.s32 $0xFFFFFFFF  }
0xb6: {  	_ =	strace $0x9000004B  }
0xb7: {  	_ =	sfence  }
0xb8: {  	s30 =	sld [smem:$0x0];
	_ =	sdelay $0x2  }
0xb9: {  	s31 =	sshll.u32 s1, $0xD;
	s1 =	sshrl.u32 s1, $0x2  }
0xba: {  	s3 =	sand.u32 $0x4000, s31;
	s1 =	sadd.s32 s1, s30  }
0xbb: {  	s0 =	sor.u32 s3, s0;
	s1 =	sshll.u32 s1, $0x11  }
0xbc: {  	s0 =	sor.u32 s1, s0  }
0xbd: {  	s0 =	sadd.s32 $0x8F2B, s0  }
0xbe: {  	[sflag:s0] =	ssyncadd.remote.s32 $0x1  }
0xbf: {  	_ =	sfence.sel $0xFFFF  }
0xc0: {  	[dreg:$0x0] =	wrdreg $0xFFFFFFFF;
	(pc) =	sbr.abs _section_cstart, $3  }
0xc1: {  	[dreg:$0x1] =	wrdreg $0xFFFFFFFF  }
0xc2: {  	_ =	task.clear_ibuf [dreg:s7], $0x2FFFF;
	_ =	strace $0x9FFFFFFF  }
0xc3: {  	(tm) =	ssettm $0x7FFFFFFF  }
tec
execute0_lowered:
.L_overlay_start_1:
0x0: {  	(tag) =	ssettag $0x1  }
0x1: {  	s1 =	rddreg [dreg:$0x0]  }
0x2: {  	s2 =	srdreg.scid;
	s6 =	rddreg [dreg:$0x1]  }
0x3: {  	s0 =	stileid.u32;
	s3 =	rddreg [dreg:$0x2];
	s4 =	simm.s32 $0x0  }
0x4: {  	s13 =	simm.s32 $0x5;
	s14 =	simm.s32 $0x2900;
	s15 =	simm.s32 $0x2800  }
0x5: {  	s16 =	simm.s32 $0x80;
	s18 =	simm.s32 $0x2880;
	s19 =	simm.s32 $0x6900  }
0x6: {  	s20 =	simm.s32 $0x1;
	s21 =	simm.s32 $0x3;
	s22 =	simm.s32 $0x2  }
0x7: {  	s23 =	simm.s32 $0x4;
	s26 =	simm.s32 $0x0;
	s9 =	smul.u32 $0x50000, s0  }
0x8: {  	s5 =	sand.u32 $0x1, s2;
	s30 =	sshll.u32 s0, $0x1;
	s25 =	smul.u32 $0x2800, s0  }
0x9: {  	[smem:$0x7FF] =	sst s4;
	s2 =	sor.u32 s5, s30;
	s8 =	smul.u32 $0x28000, s5  }
0xa: {  	s5 =	ssub.s32 $0x2, s5;
	s7 =	smul.u32 $0x500, s2;
	s2 =	rddreg [dreg:$0x3]  }
0xb: {  	_ =	strace $0x8000004A;
	s10 =	sshrl.u32 s5, $0x1;
	s31 =	sshrl.u32 s9, $0x2  }
0xc: {  	s8 =	sadd.s32 s8, s6;
	s10 =	ssub.s32 s5, s10;
	s7 =	sadd.s32 s7, s6  }
0xd: {  	s6 =	sadd.s32 s31, s3;
	s24 =	sadd.s32 $0xC600, s8;
	s8 =	smax.u32 s10, $0x1  }
0xe: {  	s5 =	sadd.s32 $0x2600, s7;
	s7 =	sadd.s32 $0x5C600, s7;
	s9 =	sadd.s32 $0x4000, s6  }
0xf: {  	s10 =	sadd.s32 $0x8000, s6;
	s11 =	sadd.s32 $0xC000, s6;
	s12 =	sadd.s32 $0x10000, s6  }
0x10: {  	v0 =	vimm.f32 $0.0e+00;
	s24 =	sadd.s32 s25, s24;
	s25 =	simm.s32 $0x2780;
	s17 =	sadd.s32 $0x10, s7  }
.LBB2_1:
0x11: {  	[tilespmem:s4], [sflag:$0x5] =	stream.linear.gather [hbm4b:s5+s4], $0x2800, $0x38;
	[tilespmem:$0x1E900] =	vst v63  }
0x12: {  	_ =	swait.ge [sflag:s13], $0x2800  }
0x13: {  	[sflag:s13] =	ssyncset.done $0x0  }
0x14: {  	s28 =	simm.s32 $0x0;
	s29 =	simm.s32 $0x200;
	[sflag:s13] =	ssyncadd.s32 $0xFFFFD800  }
.LBB2_2:
0x15: {  	p0 =	sne.s32 s29, $0xFE00;
	[tilespmem:s28+$0x2970] =	vst v0  }
0x16: {  	[tilespmem:s28+$0x2900] =	vst v0  }
0x17: {  	[tilespmem:s28+$0x2910] =	vst v0  }
.Ltmp0:
0x18: {  	[tilespmem:s28+$0x2920] =	vst v0;
	(pc) =	sbr.rel @p0 .LBB2_2-.Ltmp0, $4  }
0x19: {  	[tilespmem:s28+$0x2930] =	vst v0  }
0x1a: {  	[tilespmem:s28+$0x2940] =	vst v0  }
0x1b: {  	[tilespmem:s28+$0x2950] =	vst v0  }
0x1c: {  	[tilespmem:s28+$0x2960] =	vst v0;
	s28 =	sshra.s32 s29, $0x2;
	s29 =	sadd.s32 $0x200, s29  }
0x1d: {  	[tilespmem:s28+$0x2970] =	vst v0  }
0x1e: {  	[tilespmem:s28+$0x2900] =	vst v0  }
0x1f: {  	[tilespmem:s28+$0x2910] =	vst v0  }
0x20: {  	[tilespmem:s28+$0x2920] =	vst v0  }
0x21: {  	[tilespmem:s28+$0x2930] =	vst v0  }
0x22: {  	[tilespmem:s28+$0x2940] =	vst v0  }
0x23: {  	[tilespmem:s28+$0x2950] =	vst v0  }
0x24: {  	[tilespmem:s28+$0x2960] =	vst v0  }
0x25: {  	[spmem:s6] =	stream.linear.scatter [tilespmem:s14], [sflag:$0x5], $0x4000, $0x38;
	[tilespmem:$0x1E900] =	vst v63  }
0x26: {  	_ =	swait.ge [sflag:s13], $0x4000  }
0x27: {  	[sflag:s13] =	ssyncset.done $0x0  }
0x28: {  	[sflag:s13] =	ssyncadd.s32 $0xFFFFC000  }
0x29: {  	[spmem:s9] =	stream.linear.scatter [tilespmem:s14], [sflag:$0x5], $0x4000, $0x38;
	[tilespmem:$0x1E900] =	vst v63  }
0x2a: {  	_ =	swait.ge [sflag:s13], $0x4000  }
0x2b: {  	[sflag:s13] =	ssyncset.done $0x0  }
0x2c: {  	[sflag:s13] =	ssyncadd.s32 $0xFFFFC000  }
0x2d: {  	[spmem:s10] =	stream.linear.scatter [tilespmem:s14], [sflag:$0x5], $0x4000, $0x38;
	[tilespmem:$0x1E900] =	vst v63  }
0x2e: {  	_ =	swait.ge [sflag:s13], $0x4000  }
0x2f: {  	[sflag:s13] =	ssyncset.done $0x0  }
0x30: {  	[sflag:s13] =	ssyncadd.s32 $0xFFFFC000  }
0x31: {  	[spmem:s11] =	stream.linear.scatter [tilespmem:s14], [sflag:$0x5], $0x4000, $0x38;
	[tilespmem:$0x1E900] =	vst v63  }
0x32: {  	_ =	swait.ge [sflag:s13], $0x4000  }
0x33: {  	[sflag:s13] =	ssyncset.done $0x0  }
0x34: {  	[sflag:s13] =	ssyncadd.s32 $0xFFFFC000  }
0x35: {  	[spmem:s12] =	stream.linear.scatter [tilespmem:s14], [sflag:$0x5], $0x4000, $0x38;
	[tilespmem:$0x1E900] =	vst v63  }
0x36: {  	_ =	swait.ge [sflag:s13], $0x4000  }
0x37: {  	[sflag:s13] =	ssyncset.done $0x0  }
0x38: {  	[sflag:s13] =	ssyncadd.s32 $0xFFFFC000  }
0x39: {  	[bflag:$0x0] =	sbarrier.arrive $0xFFFF  }
0x3a: {  	[tilespmem:s15], [sflag:$0x5] =	stream.linear.gather [hbm4b:s7+s4], $0x80, $0x38;
	[tilespmem:$0x1E900] =	vst v63  }
0x3b: {  	_ =	swait.ge [sflag:s13], $0x80  }
0x3c: {  	[sflag:s13] =	ssyncset.done $0x0  }
0x3d: {  	[sflag:s13] =	ssyncadd.s32 $0xFFFFFF80  }
0x3e: {  	[tilespmem:s14], [sflag:$0x1] =	stream.indirect.gather [hbm4b:s1+s16], $0x80, s15, s16, $0xb8;
	[tilespmem:$0x1E900] =	vst v63  }
0x3f: {  	_ = 	snop  }
0x40: {  	[tilespmem:s18], [sflag:$0x5] =	stream.linear.gather [hbm4b:s17+s4], $0x80, $0x38;
	[tilespmem:$0x1E900] =	vst v63  }
0x41: {  	_ =	swait.ge [sflag:s13], $0x80  }
0x42: {  	[sflag:s13] =	ssyncset.done $0x0  }
0x43: {  	[sflag:s13] =	ssyncadd.s32 $0xFFFFFF80  }
0x44: {  	[tilespmem:s19], [sflag:$0x2] =	stream.indirect.gather [hbm4b:s1+s16], $0x80, s18, s16, $0xb8;
	[tilespmem:$0x1E900] =	vst v63  }
0x45: {  	_ =	swait.ge [sflag:s20], $0x4000  }
0x46: {  	[sflag:s20] =	ssyncset.done $0x0  }
0x47: {  	[sflag:s20] =	ssyncadd.s32 $0xFFFFC000  }
0x48: {  	[spmem:s3] =	stream.indirect.scatter.add.f32 [tilespmem:s14], [sflag:$0x3], $0x80, s4, s16, $0xb8;
	[tilespmem:$0x1E900] =	vst v63  }
0x49: {  	_ =	swait.ge [sflag:s21], $0x4000  }
0x4a: {  	s29 =	sadd.s32 $0x30, s7;
	[sflag:s21] =	ssyncset.done $0x0  }
0x4b: {  	s28 =	sadd.s32 $0xFFFFFFF0, s29;
	[sflag:s21] =	ssyncadd.s32 $0xFFFFC000  }
0x4c: {  	[tilespmem:s15], [sflag:$0x5] =	stream.linear.gather [hbm4b:s28+s4], $0x80, $0x38;
	[tilespmem:$0x1E900] =	vst v63  }
0x4d: {  	_ =	swait.ge [sflag:s13], $0x80  }
0x4e: {  	[sflag:s13] =	ssyncset.done $0x0  }
0x4f: {  	[sflag:s13] =	ssyncadd.s32 $0xFFFFFF80  }
0x50: {  	[tilespmem:s14], [sflag:$0x1] =	stream.indirect.gather [hbm4b:s1+s16], $0x80, s15, s16, $0xb8;
	[tilespmem:$0x1E900] =	vst v63  }
0x51: {  	_ =	swait.ge [sflag:s22], $0x4000  }
0x52: {  	[sflag:s22] =	ssyncset.done $0x0  }
0x53: {  	s28 =	simm.s32 $0x80;
	[sflag:s22] =	ssyncadd.s32 $0xFFFFC000  }
0x54: {  	[spmem:s3] =	stream.indirect.scatter.add.f32 [tilespmem:s19], [sflag:$0x4], $0x80, s28, s16, $0xb8;
	[tilespmem:$0x1E900] =	vst v63  }
0x55: {  	_ =	swait.ge [sflag:s23], $0x4000  }
0x56: {  	[sflag:s23] =	ssyncset.done $0x0  }
0x57: {  	[sflag:s23] =	ssyncadd.s32 $0xFFFFC000  }
0x58: {  	[tilespmem:s18], [sflag:$0x5] =	stream.linear.gather [hbm4b:s29+s4], $0x80, $0x38;
	[tilespmem:$0x1E900] =	vst v63  }
0x59: {  	_ =	swait.ge [sflag:s13], $0x80  }
0x5a: {  	[sflag:s13] =	ssyncset.done $0x0  }
0x5b: {  	[sflag:s13] =	ssyncadd.s32 $0xFFFFFF80  }
0x5c: {  	[tilespmem:s19], [sflag:$0x2] =	stream.indirect.gather [hbm4b:s1+s16], $0x80, s18, s16, $0xb8;
	[tilespmem:$0x1E900] =	vst v63  }
0x5d: {  	_ =	swait.ge [sflag:s20], $0x4000  }
0x5e: {  	s30 =	simm.s32 $0x100;
	[sflag:s20] =	ssyncset.done $0x0  }
0x5f: {  	s28 =	simm.s32 $0xFFFF6800;
	s29 =	sadd.s32 $0x20, s29;
	[sflag:s20] =	ssyncadd.s32 $0xFFFFC000  }
.LBB2_4:
0x60: {  	[spmem:s3] =	stream.indirect.scatter.add.f32 [tilespmem:s14], [sflag:$0x3], $0x80, s30, s16, $0xb8;
	[tilespmem:$0x1E900] =	vst v63  }
0x61: {  	s30 =	smov.u32 s28  }
0x62: {  	p0 =	sne.s32 s28, $0xFFFFFC00;
	s28 =	sadd.s32 $0x400, s28;
	_ =	swait.ge [sflag:s21], $0x4000  }
0x63: {  	[sflag:s21] =	ssyncset.done $0x0  }
0x64: {  	s31 =	sadd.s32 $0xFFFFFFF0, s29;
	[sflag:s21] =	ssyncadd.s32 $0xFFFFC000  }
0x65: {  	[tilespmem:s15], [sflag:$0x5] =	stream.linear.gather [hbm4b:s31+s4], $0x80, $0x38;
	[tilespmem:$0x1E900] =	vst v63  }
0x66: {  	_ =	swait.ge [sflag:s13], $0x80  }
0x67: {  	[sflag:s13] =	ssyncset.done $0x0  }
0x68: {  	[sflag:s13] =	ssyncadd.s32 $0xFFFFFF80  }
0x69: {  	[tilespmem:s14], [sflag:$0x1] =	stream.indirect.gather [hbm4b:s1+s16], $0x80, s15, s16, $0xb8;
	[tilespmem:$0x1E900] =	vst v63  }
0x6a: {  	_ =	swait.ge [sflag:s22], $0x4000  }
0x6b: {  	s30 =	sshra.s32 s30, $0x2;
	[sflag:s22] =	ssyncset.done $0x0  }
0x6c: {  	s31 =	sadd.s32 $0x2780, s30;
	[sflag:s22] =	ssyncadd.s32 $0xFFFFC000  }
0x6d: {  	[spmem:s3] =	stream.indirect.scatter.add.f32 [tilespmem:s19], [sflag:$0x4], $0x80, s31, s16, $0xb8;
	[tilespmem:$0x1E900] =	vst v63  }
0x6e: {  	_ =	swait.ge [sflag:s23], $0x4000  }
0x6f: {  	[sflag:s23] =	ssyncset.done $0x0  }
0x70: {  	[sflag:s23] =	ssyncadd.s32 $0xFFFFC000  }
0x71: {  	[tilespmem:s18], [sflag:$0x5] =	stream.linear.gather [hbm4b:s29+s4], $0x80, $0x38;
	[tilespmem:$0x1E900] =	vst v63  }
0x72: {  	_ =	swait.ge [sflag:s13], $0x80  }
0x73: {  	[sflag:s13] =	ssyncset.done $0x0  }
.Ltmp1:
0x74: {  	[sflag:s13] =	ssyncadd.s32 $0xFFFFFF80;
	(pc) =	sbr.rel @p0 .LBB2_4-.Ltmp1, $4  }
0x75: {  	[tilespmem:s19], [sflag:$0x2] =	stream.indirect.gather [hbm4b:s1+s16], $0x80, s18, s16, $0xb8;
	[tilespmem:$0x1E900] =	vst v63  }
0x76: {  	_ =	swait.ge [sflag:s20], $0x4000  }
0x77: {  	[sflag:s20] =	ssyncset.done $0x0  }
0x78: {  	s30 =	sadd.s32 $0x2800, s30;
	s29 =	sadd.s32 $0x20, s29;
	[sflag:s20] =	ssyncadd.s32 $0xFFFFC000  }
0x79: {  	[spmem:s3] =	stream.indirect.scatter.add.f32 [tilespmem:s14], [sflag:$0x3], $0x80, s30, s16, $0xb8;
	[tilespmem:$0x1E900] =	vst v63  }
0x7a: {  	_ =	swait.ge [sflag:s21], $0x4000  }
0x7b: {  	[sflag:s21] =	ssyncset.done $0x0  }
0x7c: {  	[sflag:s21] =	ssyncadd.s32 $0xFFFFC000  }
0x7d: {  	_ =	swait.ge [sflag:s22], $0x4000  }
0x7e: {  	[sflag:s22] =	ssyncset.done $0x0  }
0x7f: {  	[sflag:s22] =	ssyncadd.s32 $0xFFFFC000  }
0x80: {  	[spmem:s3] =	stream.indirect.scatter.add.f32 [tilespmem:s19], [sflag:$0x4], $0x80, s25, s16, $0xb8;
	[tilespmem:$0x1E900] =	vst v63  }
0x81: {  	_ =	swait.ge [sflag:s23], $0x4000  }
0x82: {  	s28 =	sshll.u32 s0, $0x6;
	s26 =	sadd.s32 $0x1, s26;
	[sflag:s23] =	ssyncset.done $0x0  }
0x83: {  	s29 =	sshrl.u32 s6, $0x3;
	p0 =	sne.s32 s26, s8;
	[sflag:s23] =	ssyncadd.s32 $0xFFFFC000  }
.Ltmp2:
0x84: {  	s28 =	sor.u32 $0x1C05, s28;
	[bflag:$0x0] =	sbarrier.arrive $0xFFFF;
	(pc) =	sbr.rel @p0 .LBB2_1-.Ltmp2, $4  }
0x85: {  	[hbm:s24], [sflag:s28] =	dma.local [spmem:s29], $0x2800  }
0x86: {  	_ =	swait.ge [sflag:s13], $0x2800  }
0x87: {  	[sflag:s13] =	ssyncset.done $0x0  }
0x88: {  	[sflag:s13] =	ssyncadd.s32 $0xFFFFD800  }
0x89: {  	_ =	sfence.sel $0x180000  }
0x8a: {  	[bflag:$0x0] =	sbarrier.arrive $0xFFFF  }
0x8b: {  	p0 =	sne.s32 s0, $0x0;
	_ =	strace $0x9000004A  }
0x8c: {  	s0 =	sadd.s32 @!p0 $0x100000, s2;
	[bflag:$0x2] =	sbarrier.arrive $0xFFFF  }
0x8d: {  	[sflag:s0] =	ssyncadd.tile.s32 @!p0 $0x1;
	_ =	shalt  }
.Lfunc_end2:
_tile_overlayer_lowered:
.L_overlay_start_2:
0x8e: {  	(tag) =	ssettag $0x2  }
0x8f: {  	s0 =	rddreg [dreg:$0x0];
	s2 =	stileid.u32  }
0x90: {  	s1 =	rddreg [dreg:$0x1];
	p0 =	sne.s32 s2, $0x0  }
0x91: {  	s3 =	rddreg [dreg:$0x2];
	[bflag:$0x3] =	sbarrier.arrive $0xFFFF;
	s2 =	simm.s32 @!p0 $0x1C05  }
0x92: {  	[timem:s3], [sflag:s2] =	dma.local @!p0 [hbm:s0], s1  }
0x93: {  	s0 =	simm.s32 @!p0 $0x5  }
0x94: {  	_ =	swait.ge @!p0 [sflag:s0], s1  }
0x95: {  	s1 =	ssub.s32 @!p0 $0x0, s1;
	[sflag:s0] =	ssyncset.done @!p0 $0x0  }
0x96: {  	[sflag:s0] =	ssyncadd.s32 @!p0 s1  }
0x97: {  	[bflag:$0x3] =	sbarrier.arrive $0xFFFF  }
0x98: {  	_ =	shalt  }

// kernel: kernel.15.cloned.1.call-start
scs
__scs_entry_jumppad:
0x0: {  	(pc) =	sbr.rel $0x88, $3  }
0x1: {  	(tag) =	ssettag $0x0;
	lr =	simm.s32 $0x1  }
0x2: {  	[smem:$0x3F9B] =	sst lr;
	_ =	strace $0xD0000000  }
0x3: {  	_ = 	snop  }
0x4: {  	_ = 	snop  }
0x5: {  	_ = 	snop  }
0x6: {  	_ = 	snop  }
0x7: {  	_ = 	snop  }
__scs_overlays_trampoline_lowered:
0x8: {  	[smem:$0x3FAA] =	sst s0  }
0x9: {  	[smem:$0x3FAB] =	sst s1  }
0xa: {  	[smem:$0x3FAC] =	sst s2  }
0xb: {  	[smem:$0x3FAD] =	sst s3  }
0xc: {  	[smem:$0x3FAE] =	sst s4  }
0xd: {  	[smem:$0x3FAF] =	sst s5  }
0xe: {  	[smem:$0x3FB0] =	sst s6  }
0xf: {  	[smem:$0x3FB1] =	sst s7  }
0x10: {  	[smem:$0x3FB2] =	sst s8  }
0x11: {  	[smem:$0x3FB3] =	sst s9;
	s0 =	simm.s32 @!p0 $0x0  }
0x12: {  	s1 =	sld [smem:$0x3F99];
	s0 =	simm.s32 @p0 $0x1  }
0x13: {  	[smem:$0x3FB4] =	sst s0;
	s0 =	simm.s32 @!p1 $0x0  }
0x14: {  	s2 =	sld [smem:$0x3F98];
	s0 =	simm.s32 @p1 $0x1  }
0x15: {  	[smem:$0x3FB5] =	sst s0;
	s0 =	simm.s32 @!p2 $0x0  }
0x16: {  	s3 =	sld [smem:$0x3FDB];
	s0 =	simm.s32 @p2 $0x1  }
0x17: {  	s4 =	simm.s32 $0x1BF5;
	[smem:$0x3FB7] =	sst s0  }
0x18: {  	s0 =	sld [smem:$0x3F9A];
	_ =	swait.ge [sflag:s4], $0x0  }
0x19: {  	s7 =	sld [smem:$0x3F9B]  }
0x1a: {  	s8 =	sadd.s32 $0xFFFFE003, lr  }
0x1b: {  	s9 =	sadd.s32 $0xFFFFFEF7, lr;
	s5 =	simm.s32 $0xFFFFFFFF;
	p2 =	slt.u32 s8, $0xFFFFF086  }
0x1c: {  	p1 =	slt.u32 s9, $0xF7A;
	s5 =	simm.s32 @!p2 $0x0  }
0x1d: {  	s5 =	simm.s32 @p1 $0x1;
	p0 =	seq.s32 s7, s2  }
0x1e: {  	s7 =	smul.u32 @!p0 $0xF7A, s2;
	p2 =	seq.s32 @!p0 s5, $0x0  }
0x1f: {  	s9 =	smul.u32 $0xF7A, s1;
	s8 =	simm.s32 @!p0 $0x1BF5;
	p2 =	por !p2, p0  }
0x20: {  	[sflag:s8] =	ssyncset.s32 @!p0 $0xFFFFF086;
	s6 =	sadd.s32 @!p0 s3, s7;
	s7 =	simm.s32 @!p0 $0x108  }
0x21: {  	s3 =	sadd.s32 s3, s9;
	s6 =	sadd.s32 @!p0 $0x88, s6;
	s7 =	simm.s32 @p2 $0x1082  }
0x22: {  	[simem:s7], [sflag:s8] =	dma.local @!p0 [hbm:s6], $0xF7A  }
0x23: {  	s9 =	sor.u32 $0xD0000000, s2;
	s6 =	simm.s32 $0x108;
	_ =	swait.ge @!p0 [sflag:s8], $0x0  }
0x24: {  	s3 =	sadd.s32 $0x88, s3;
	s6 =	simm.s32 @!p1 $0x1082;
	[sflag:s4] =	ssyncset.s32 $0xFFFFF086  }
0x25: {  	[simem:s6], [sflag:s4] =	dma.local [hbm:s3], $0xF7A  }
0x26: {  	[smem:$0x3F9B] =	sst s1;
	(tag) =	ssettag s2;
	_ =	strace s9  }
0x27: {  	s1 =	sld [smem:$0x3FAB]  }
0x28: {  	s2 =	sld [smem:$0x3FAC]  }
0x29: {  	s4 =	sld [smem:$0x3FAE]  }
0x2a: {  	p0 =	seq.s32 s5, $0x0;
	s5 =	sld [smem:$0x3FAF]  }
0x2b: {  	s6 =	sld [smem:$0x3FB0]  }
0x2c: {  	s7 =	sld [smem:$0x3FB1]  }
0x2d: {  	s3 =	simm.s32 $0x108;
	s8 =	sld [smem:$0x3FB2]  }
0x2e: {  	s3 =	simm.s32 @!p0 $0x1082;
	s9 =	sld [smem:$0x3FB3]  }
0x2f: {  	lr =	sadd.s32 s0, s3;
	s0 =	sld [smem:$0x3FAA]  }
0x30: {  	s3 =	sld [smem:$0x3FAD]  }
0x31: {  	[smem:$0x3FB6] =	sst s10  }
0x32: {  	s10 =	sld [smem:$0x3FB4];
	_ =	sdelay $0x3  }
0x33: {  	p0 =	seq.s32 s10, $0x1;
	s10 =	sld [smem:$0x3FB6];
	_ =	sdelay $0x3  }
0x34: {  	[smem:$0x3FB6] =	sst s10  }
0x35: {  	s10 =	sld [smem:$0x3FB5];
	_ =	sdelay $0x3  }
0x36: {  	p1 =	seq.s32 s10, $0x1;
	s10 =	sld [smem:$0x3FB6];
	_ =	sdelay $0x3  }
0x37: {  	[smem:$0x3FB6] =	sst s10  }
0x38: {  	s10 =	sld [smem:$0x3FB7]  }
0x39: {  	_ = 	snop;
	(pc) =	sbr.ind lr, $3  }
0x3a: {  	_ = 	snop  }
0x3b: {  	_ = 	snop  }
0x3c: {  	p2 =	seq.s32 s10, $0x1;
	s10 =	sld [smem:$0x3FB6]  }
0x3d: {  	_ =	shalt  }
0x3e: {  	_ =	shalt  }
0x3f: {  	_ =	shalt  }
0x40: {  	_ =	shalt  }
0x41: {  	_ =	shalt  }
0x42: {  	_ =	shalt  }
0x43: {  	_ =	shalt  }
0x44: {  	_ =	shalt  }
0x45: {  	_ =	shalt  }
0x46: {  	_ =	shalt  }
0x47: {  	_ =	shalt  }
0x48: {  	_ =	shalt  }
0x49: {  	_ =	shalt  }
0x4a: {  	_ =	shalt  }
0x4b: {  	_ =	shalt  }
0x4c: {  	_ =	shalt  }
0x4d: {  	_ =	shalt  }
0x4e: {  	_ =	shalt  }
0x4f: {  	_ =	shalt  }
0x50: {  	_ =	shalt  }
0x51: {  	_ =	shalt  }
0x52: {  	_ =	shalt  }
0x53: {  	_ =	shalt  }
0x54: {  	_ =	shalt  }
0x55: {  	_ =	shalt  }
0x56: {  	_ =	shalt  }
0x57: {  	_ =	shalt  }
0x58: {  	_ =	shalt  }
0x59: {  	_ =	shalt  }
0x5a: {  	_ =	shalt  }
0x5b: {  	_ =	shalt  }
0x5c: {  	_ =	shalt  }
0x5d: {  	_ =	shalt  }
0x5e: {  	_ =	shalt  }
0x5f: {  	_ =	shalt  }
0x60: {  	_ =	shalt  }
0x61: {  	_ =	shalt  }
0x62: {  	_ =	shalt  }
0x63: {  	_ =	shalt  }
0x64: {  	_ =	shalt  }
0x65: {  	_ =	shalt  }
0x66: {  	_ =	shalt  }
0x67: {  	_ =	shalt  }
0x68: {  	_ =	shalt  }
0x69: {  	_ =	shalt  }
0x6a: {  	_ =	shalt  }
0x6b: {  	_ =	shalt  }
0x6c: {  	_ =	shalt  }
0x6d: {  	_ =	shalt  }
0x6e: {  	_ =	shalt  }
0x6f: {  	_ =	shalt  }
0x70: {  	_ =	shalt  }
0x71: {  	_ =	shalt  }
0x72: {  	_ =	shalt  }
0x73: {  	_ =	shalt  }
0x74: {  	_ =	shalt  }
0x75: {  	_ =	shalt  }
0x76: {  	_ =	shalt  }
0x77: {  	_ =	shalt  }
0x78: {  	_ =	shalt  }
0x79: {  	_ =	shalt  }
0x7a: {  	_ =	shalt  }
0x7b: {  	_ =	shalt  }
0x7c: {  	_ =	shalt  }
0x7d: {  	_ =	shalt  }
0x7e: {  	_ =	shalt  }
0x7f: {  	_ =	shalt  }
0x80: {  	_ =	shalt  }
0x81: {  	_ =	shalt  }
0x82: {  	_ =	shalt  }
0x83: {  	_ =	shalt  }
0x84: {  	_ =	shalt  }
0x85: {  	_ =	shalt  }
0x86: {  	_ =	shalt  }
0x87: {  	_ =	shalt  }
.Lfunc_end0:
.L_simem_size_0:
called_computation.2_lowered:
.L_overlay_start_0:
0x88: {  	s2 =	sld [smem:$0x3FD9]  }
0x89: {  	s3 =	sld [smem:$0x3FFE];
	_ =	sdelay $0x1  }
0x8a: {  	s1 =	srdreg.scid  }
0x8b: {  	s0 =	sand.u32 $0x1, s1  }
0x8c: {  	s17 =	sshll.u32 s0, $0xA;
	s2 =	sadd.s32 s3, s2  }
0x8d: {  	s2 =	sadd.s32 s2, s17  }
0x8e: {  	[smem:$0x3FC2] =	sst s2  }
0x8f: {  	_ = 	snop  }
0x90: {  	s2 =	sld [smem:$0x3FD0];
	(tm) =	ssettm $0x1  }
0x91: {  	s18 =	sld [smem:$0x3FFB];
	_ =	sdelay $0x3  }
0x92: {  	_ =	strace s18  }
0x93: {  	s3 =	sld [smem:$0x3FFC];
	_ =	sdelay $0x3  }
0x94: {  	_ =	strace s3  }
0x95: {  	s3 =	sld [smem:$0x3FFD];
	_ =	sdelay $0x3  }
0x96: {  	_ =	strace s3  }
0x97: {  	_ =	strace $0x8FFFFFFF  }
0x98: {  	s19 =	sld [smem:$0x3FDB];
	_ =	sdelay $0x1  }
0x99: {  	s4 =	simm.s32 $_scs_section_size  }
0x9a: {  	s5 =	simm.s32 $_size__tile_overlayer_lowered;
	s6 =	simm.s32 $_tile_overlayer_lowered  }
0x9b: {  	s22 =	simm.s32 $0x1BFF;
	s21 =	sshll.u32 s6, $0x1;
	s3 =	sadd.s32 s4, s19  }
0x9c: {  	s7 =	simm.s32 $0x0;
	s20 =	sshll.u32 s5, $0x1;
	s5 =	sadd.s32 s21, s3  }
0x9d: {  	[timem:s7], [sflag:s22] =	dma.local [hbm:s5], s20  }
0x9e: {  	_ =	swait.ge [sflag:s22], s20  }
0x9f: {  	s4 =	ssub.s32 $0x0, s20;
	[sflag:s22] =	ssyncset.done $0x0  }
0xa0: {  	[sflag:s22] =	ssyncadd.s32 s4;
	_ =	sdelay $0x1  }
0xa1: {  	s23 =	simm.s32 $0x1B8B  }
0xa2: {  	_ =	swait.ge [sflag:s23], $0x1  }
0xa3: {  	[sflag:s23] =	ssyncset.done $0x0  }
0xa4: {  	s25 =	simm.s32 $0x1B8E;
	s24 =	sld [smem:$0x3FFE];
	[sflag:s23] =	ssyncadd.s32 $0xFFFFFFFF  }
0xa5: {  	s26 =	simm.s32 $execute0_lowered;
	[smem:$0x3FD2] =	sst s25  }
0xa6: {  	s5 =	sshll.u32 s26, $0x1;
	_ =	strace $0x8000004C;
	[dreg:$0x1] =	wrdreg $0xFFFFFFFF  }
0xa7: {  	s28 =	simm.s32 $_size_execute0_lowered;
	s3 =	sadd.s32 s3, s5;
	[dreg:$0x0] =	wrdreg $0x0  }
0xa8: {  	s5 =	sshll.u32 s28, $0x1;
	[dreg:$0x2] =	wrdreg s3  }
0xa9: {  	[dreg:$0x3] =	wrdreg s5  }
0xaa: {  	[dreg:$0x4] =	wrdreg $0xC0  }
0xab: {  	_ =	task [dreg:s7], $0x5FFFF  }
0xac: {  	[dreg:$0x1] =	wrdreg $0xFFFFFFFF  }
0xad: {  	[dreg:$0x0] =	wrdreg $0x60  }
0xae: {  	[dreg:$0x2] =	wrdreg s2  }
0xaf: {  	[dreg:$0x3] =	wrdreg s24  }
0xb0: {  	[dreg:$0x4] =	wrdreg $0xA9000  }
0xb1: {  	[dreg:$0x5] =	wrdreg $0x9  }
0xb2: {  	_ =	task.clear_ibuf [dreg:s7], $0x6FFFF;
	_ =	strace $0x9000004C  }
0xb3: {  	s29 =	simm.s32 $0x9;
	_ =	strace $0x8000004E  }
0xb4: {  	_ =	swait.ge [sflag:s29], $0x1  }
0xb5: {  	[sflag:s29] =	ssyncadd.s32 $0xFFFFFFFF  }
0xb6: {  	_ =	strace $0x9000004E  }
0xb7: {  	_ =	sfence  }
0xb8: {  	s30 =	sld [smem:$0x0];
	_ =	sdelay $0x2  }
0xb9: {  	s31 =	sshll.u32 s1, $0xD;
	s1 =	sshrl.u32 s1, $0x2  }
0xba: {  	s3 =	sand.u32 $0x4000, s31;
	s1 =	sadd.s32 s1, s30  }
0xbb: {  	s0 =	sor.u32 s3, s0;
	s1 =	sshll.u32 s1, $0x11  }
0xbc: {  	s0 =	sor.u32 s1, s0  }
0xbd: {  	s0 =	sadd.s32 $0x8F2B, s0  }
0xbe: {  	[sflag:s0] =	ssyncadd.remote.s32 $0x1  }
0xbf: {  	_ =	sfence.sel $0xFFFF  }
0xc0: {  	[dreg:$0x0] =	wrdreg $0xFFFFFFFF;
	(pc) =	sbr.abs _section_cstart, $3  }
0xc1: {  	[dreg:$0x1] =	wrdreg $0xFFFFFFFF  }
0xc2: {  	_ =	task.clear_ibuf [dreg:s7], $0x2FFFF;
	_ =	strace $0x9FFFFFFF  }
0xc3: {  	(tm) =	ssettm $0x7FFFFFFF  }
tec
execute0_lowered:
.L_overlay_start_1:
0x0: {  	(tag) =	ssettag $0x1  }
0x1: {  	s1 =	rddreg [dreg:$0x0]  }
0x2: {  	s2 =	srdreg.scid;
	s6 =	rddreg [dreg:$0x1]  }
0x3: {  	s0 =	stileid.u32;
	s3 =	rddreg [dreg:$0x2];
	s4 =	simm.s32 $0x0  }
0x4: {  	s13 =	simm.s32 $0x5;
	s14 =	simm.s32 $0x2900;
	s15 =	simm.s32 $0x2800  }
0x5: {  	s16 =	simm.s32 $0x80;
	s18 =	simm.s32 $0x2880;
	s19 =	simm.s32 $0x6900  }
0x6: {  	s20 =	simm.s32 $0x1;
	s21 =	simm.s32 $0x3;
	s22 =	simm.s32 $0x2  }
0x7: {  	s23 =	simm.s32 $0x4;
	s26 =	simm.s32 $0x0;
	s9 =	smul.u32 $0x50000, s0  }
0x8: {  	s5 =	sand.u32 $0x1, s2;
	s30 =	sshll.u32 s0, $0x1;
	s25 =	smul.u32 $0x2800, s0  }
0x9: {  	[smem:$0x7FF] =	sst s4;
	s2 =	sor.u32 s5, s30;
	s8 =	smul.u32 $0x28000, s5  }
0xa: {  	s5 =	ssub.s32 $0x2, s5;
	s7 =	smul.u32 $0x500, s2;
	s2 =	rddreg [dreg:$0x3]  }
0xb: {  	_ =	strace $0x8000004D;
	s10 =	sshrl.u32 s5, $0x1;
	s31 =	sshrl.u32 s9, $0x2  }
0xc: {  	s8 =	sadd.s32 s8, s6;
	s10 =	ssub.s32 s5, s10;
	s7 =	sadd.s32 s7, s6  }
0xd: {  	s6 =	sadd.s32 s31, s3;
	s24 =	sadd.s32 $0xC600, s8;
	s8 =	smax.u32 s10, $0x1  }
0xe: {  	s5 =	sadd.s32 $0x2600, s7;
	s7 =	sadd.s32 $0x5C600, s7;
	s9 =	sadd.s32 $0x4000, s6  }
0xf: {  	s10 =	sadd.s32 $0x8000, s6;
	s11 =	sadd.s32 $0xC000, s6;
	s12 =	sadd.s32 $0x10000, s6  }
0x10: {  	v0 =	vimm.f32 $0.0e+00;
	s24 =	sadd.s32 s25, s24;
	s25 =	simm.s32 $0x2780;
	s17 =	sadd.s32 $0x10, s7  }
.LBB2_1:
0x11: {  	[tilespmem:s4], [sflag:$0x5] =	stream.linear.gather [hbm4b:s5+s4], $0x2800, $0x38;
	[tilespmem:$0x1E900] =	vst v63  }
0x12: {  	_ =	swait.ge [sflag:s13], $0x2800  }
0x13: {  	[sflag:s13] =	ssyncset.done $0x0  }
0x14: {  	s28 =	simm.s32 $0x0;
	s29 =	simm.s32 $0x200;
	[sflag:s13] =	ssyncadd.s32 $0xFFFFD800  }
.LBB2_2:
0x15: {  	p0 =	sne.s32 s29, $0xFE00;
	[tilespmem:s28+$0x2970] =	vst v0  }
0x16: {  	[tilespmem:s28+$0x2900] =	vst v0  }
0x17: {  	[tilespmem:s28+$0x2910] =	vst v0  }
.Ltmp0:
0x18: {  	[tilespmem:s28+$0x2920] =	vst v0;
	(pc) =	sbr.rel @p0 .LBB2_2-.Ltmp0, $4  }
0x19: {  	[tilespmem:s28+$0x2930] =	vst v0  }
0x1a: {  	[tilespmem:s28+$0x2940] =	vst v0  }
0x1b: {  	[tilespmem:s28+$0x2950] =	vst v0  }
0x1c: {  	[tilespmem:s28+$0x2960] =	vst v0;
	s28 =	sshra.s32 s29, $0x2;
	s29 =	sadd.s32 $0x200, s29  }
0x1d: {  	[tilespmem:s28+$0x2970] =	vst v0  }
0x1e: {  	[tilespmem:s28+$0x2900] =	vst v0  }
0x1f: {  	[tilespmem:s28+$0x2910] =	vst v0  }
0x20: {  	[tilespmem:s28+$0x2920] =	vst v0  }
0x21: {  	[tilespmem:s28+$0x2930] =	vst v0  }
0x22: {  	[tilespmem:s28+$0x2940] =	vst v0  }
0x23: {  	[tilespmem:s28+$0x2950] =	vst v0  }
0x24: {  	[tilespmem:s28+$0x2960] =	vst v0  }
0x25: {  	[spmem:s6] =	stream.linear.scatter [tilespmem:s14], [sflag:$0x5], $0x4000, $0x38;
	[tilespmem:$0x1E900] =	vst v63  }
0x26: {  	_ =	swait.ge [sflag:s13], $0x4000  }
0x27: {  	[sflag:s13] =	ssyncset.done $0x0  }
0x28: {  	[sflag:s13] =	ssyncadd.s32 $0xFFFFC000  }
0x29: {  	[spmem:s9] =	stream.linear.scatter [tilespmem:s14], [sflag:$0x5], $0x4000, $0x38;
	[tilespmem:$0x1E900] =	vst v63  }
0x2a: {  	_ =	swait.ge [sflag:s13], $0x4000  }
0x2b: {  	[sflag:s13] =	ssyncset.done $0x0  }
0x2c: {  	[sflag:s13] =	ssyncadd.s32 $0xFFFFC000  }
0x2d: {  	[spmem:s10] =	stream.linear.scatter [tilespmem:s14], [sflag:$0x5], $0x4000, $0x38;
	[tilespmem:$0x1E900] =	vst v63  }
0x2e: {  	_ =	swait.ge [sflag:s13], $0x4000  }
0x2f: {  	[sflag:s13] =	ssyncset.done $0x0  }
0x30: {  	[sflag:s13] =	ssyncadd.s32 $0xFFFFC000  }
0x31: {  	[spmem:s11] =	stream.linear.scatter [tilespmem:s14], [sflag:$0x5], $0x4000, $0x38;
	[tilespmem:$0x1E900] =	vst v63  }
0x32: {  	_ =	swait.ge [sflag:s13], $0x4000  }
0x33: {  	[sflag:s13] =	ssyncset.done $0x0  }
0x34: {  	[sflag:s13] =	ssyncadd.s32 $0xFFFFC000  }
0x35: {  	[spmem:s12] =	stream.linear.scatter [tilespmem:s14], [sflag:$0x5], $0x4000, $0x38;
	[tilespmem:$0x1E900] =	vst v63  }
0x36: {  	_ =	swait.ge [sflag:s13], $0x4000  }
0x37: {  	[sflag:s13] =	ssyncset.done $0x0  }
0x38: {  	[sflag:s13] =	ssyncadd.s32 $0xFFFFC000  }
0x39: {  	[bflag:$0x0] =	sbarrier.arrive $0xFFFF  }
0x3a: {  	[tilespmem:s15], [sflag:$0x5] =	stream.linear.gather [hbm4b:s7+s4], $0x80, $0x38;
	[tilespmem:$0x1E900] =	vst v63  }
0x3b: {  	_ =	swait.ge [sflag:s13], $0x80  }
0x3c: {  	[sflag:s13] =	ssyncset.done $0x0  }
0x3d: {  	[sflag:s13] =	ssyncadd.s32 $0xFFFFFF80  }
0x3e: {  	[tilespmem:s14], [sflag:$0x1] =	stream.indirect.gather [hbm4b:s1+s16], $0x80, s15, s16, $0xb8;
	[tilespmem:$0x1E900] =	vst v63  }
0x3f: {  	_ = 	snop  }
0x40: {  	[tilespmem:s18], [sflag:$0x5] =	stream.linear.gather [hbm4b:s17+s4], $0x80, $0x38;
	[tilespmem:$0x1E900] =	vst v63  }
0x41: {  	_ =	swait.ge [sflag:s13], $0x80  }
0x42: {  	[sflag:s13] =	ssyncset.done $0x0  }
0x43: {  	[sflag:s13] =	ssyncadd.s32 $0xFFFFFF80  }
0x44: {  	[tilespmem:s19], [sflag:$0x2] =	stream.indirect.gather [hbm4b:s1+s16], $0x80, s18, s16, $0xb8;
	[tilespmem:$0x1E900] =	vst v63  }
0x45: {  	_ =	swait.ge [sflag:s20], $0x4000  }
0x46: {  	[sflag:s20] =	ssyncset.done $0x0  }
0x47: {  	[sflag:s20] =	ssyncadd.s32 $0xFFFFC000  }
0x48: {  	[spmem:s3] =	stream.indirect.scatter.add.f32 [tilespmem:s14], [sflag:$0x3], $0x80, s4, s16, $0xb8;
	[tilespmem:$0x1E900] =	vst v63  }
0x49: {  	_ =	swait.ge [sflag:s21], $0x4000  }
0x4a: {  	s29 =	sadd.s32 $0x30, s7;
	[sflag:s21] =	ssyncset.done $0x0  }
0x4b: {  	s28 =	sadd.s32 $0xFFFFFFF0, s29;
	[sflag:s21] =	ssyncadd.s32 $0xFFFFC000  }
0x4c: {  	[tilespmem:s15], [sflag:$0x5] =	stream.linear.gather [hbm4b:s28+s4], $0x80, $0x38;
	[tilespmem:$0x1E900] =	vst v63  }
0x4d: {  	_ =	swait.ge [sflag:s13], $0x80  }
0x4e: {  	[sflag:s13] =	ssyncset.done $0x0  }
0x4f: {  	[sflag:s13] =	ssyncadd.s32 $0xFFFFFF80  }
0x50: {  	[tilespmem:s14], [sflag:$0x1] =	stream.indirect.gather [hbm4b:s1+s16], $0x80, s15, s16, $0xb8;
	[tilespmem:$0x1E900] =	vst v63  }
0x51: {  	_ =	swait.ge [sflag:s22], $0x4000  }
0x52: {  	[sflag:s22] =	ssyncset.done $0x0  }
0x53: {  	s28 =	simm.s32 $0x80;
	[sflag:s22] =	ssyncadd.s32 $0xFFFFC000  }
0x54: {  	[spmem:s3] =	stream.indirect.scatter.add.f32 [tilespmem:s19], [sflag:$0x4], $0x80, s28, s16, $0xb8;
	[tilespmem:$0x1E900] =	vst v63  }
0x55: {  	_ =	swait.ge [sflag:s23], $0x4000  }
0x56: {  	[sflag:s23] =	ssyncset.done $0x0  }
0x57: {  	[sflag:s23] =	ssyncadd.s32 $0xFFFFC000  }
0x58: {  	[tilespmem:s18], [sflag:$0x5] =	stream.linear.gather [hbm4b:s29+s4], $0x80, $0x38;
	[tilespmem:$0x1E900] =	vst v63  }
0x59: {  	_ =	swait.ge [sflag:s13], $0x80  }
0x5a: {  	[sflag:s13] =	ssyncset.done $0x0  }
0x5b: {  	[sflag:s13] =	ssyncadd.s32 $0xFFFFFF80  }
0x5c: {  	[tilespmem:s19], [sflag:$0x2] =	stream.indirect.gather [hbm4b:s1+s16], $0x80, s18, s16, $0xb8;
	[tilespmem:$0x1E900] =	vst v63  }
0x5d: {  	_ =	swait.ge [sflag:s20], $0x4000  }
0x5e: {  	s30 =	simm.s32 $0x100;
	[sflag:s20] =	ssyncset.done $0x0  }
0x5f: {  	s28 =	simm.s32 $0xFFFF6800;
	s29 =	sadd.s32 $0x20, s29;
	[sflag:s20] =	ssyncadd.s32 $0xFFFFC000  }
.LBB2_4:
0x60: {  	[spmem:s3] =	stream.indirect.scatter.add.f32 [tilespmem:s14], [sflag:$0x3], $0x80, s30, s16, $0xb8;
	[tilespmem:$0x1E900] =	vst v63  }
0x61: {  	s30 =	smov.u32 s28  }
0x62: {  	p0 =	sne.s32 s28, $0xFFFFFC00;
	s28 =	sadd.s32 $0x400, s28;
	_ =	swait.ge [sflag:s21], $0x4000  }
0x63: {  	[sflag:s21] =	ssyncset.done $0x0  }
0x64: {  	s31 =	sadd.s32 $0xFFFFFFF0, s29;
	[sflag:s21] =	ssyncadd.s32 $0xFFFFC000  }
0x65: {  	[tilespmem:s15], [sflag:$0x5] =	stream.linear.gather [hbm4b:s31+s4], $0x80, $0x38;
	[tilespmem:$0x1E900] =	vst v63  }
0x66: {  	_ =	swait.ge [sflag:s13], $0x80  }
0x67: {  	[sflag:s13] =	ssyncset.done $0x0  }
0x68: {  	[sflag:s13] =	ssyncadd.s32 $0xFFFFFF80  }
0x69: {  	[tilespmem:s14], [sflag:$0x1] =	stream.indirect.gather [hbm4b:s1+s16], $0x80, s15, s16, $0xb8;
	[tilespmem:$0x1E900] =	vst v63  }
0x6a: {  	_ =	swait.ge [sflag:s22], $0x4000  }
0x6b: {  	s30 =	sshra.s32 s30, $0x2;
	[sflag:s22] =	ssyncset.done $0x0  }
0x6c: {  	s31 =	sadd.s32 $0x2780, s30;
	[sflag:s22] =	ssyncadd.s32 $0xFFFFC000  }
0x6d: {  	[spmem:s3] =	stream.indirect.scatter.add.f32 [tilespmem:s19], [sflag:$0x4], $0x80, s31, s16, $0xb8;
	[tilespmem:$0x1E900] =	vst v63  }
0x6e: {  	_ =	swait.ge [sflag:s23], $0x4000  }
0x6f: {  	[sflag:s23] =	ssyncset.done $0x0  }
0x70: {  	[sflag:s23] =	ssyncadd.s32 $0xFFFFC000  }
0x71: {  	[tilespmem:s18], [sflag:$0x5] =	stream.linear.gather [hbm4b:s29+s4], $0x80, $0x38;
	[tilespmem:$0x1E900] =	vst v63  }
0x72: {  	_ =	swait.ge [sflag:s13], $0x80  }
0x73: {  	[sflag:s13] =	ssyncset.done $0x0  }
.Ltmp1:
0x74: {  	[sflag:s13] =	ssyncadd.s32 $0xFFFFFF80;
	(pc) =	sbr.rel @p0 .LBB2_4-.Ltmp1, $4  }
0x75: {  	[tilespmem:s19], [sflag:$0x2] =	stream.indirect.gather [hbm4b:s1+s16], $0x80, s18, s16, $0xb8;
	[tilespmem:$0x1E900] =	vst v63  }
0x76: {  	_ =	swait.ge [sflag:s20], $0x4000  }
0x77: {  	[sflag:s20] =	ssyncset.done $0x0  }
0x78: {  	s30 =	sadd.s32 $0x2800, s30;
	s29 =	sadd.s32 $0x20, s29;
	[sflag:s20] =	ssyncadd.s32 $0xFFFFC000  }
0x79: {  	[spmem:s3] =	stream.indirect.scatter.add.f32 [tilespmem:s14], [sflag:$0x3], $0x80, s30, s16, $0xb8;
	[tilespmem:$0x1E900] =	vst v63  }
0x7a: {  	_ =	swait.ge [sflag:s21], $0x4000  }
0x7b: {  	[sflag:s21] =	ssyncset.done $0x0  }
0x7c: {  	[sflag:s21] =	ssyncadd.s32 $0xFFFFC000  }
0x7d: {  	_ =	swait.ge [sflag:s22], $0x4000  }
0x7e: {  	[sflag:s22] =	ssyncset.done $0x0  }
0x7f: {  	[sflag:s22] =	ssyncadd.s32 $0xFFFFC000  }
0x80: {  	[spmem:s3] =	stream.indirect.scatter.add.f32 [tilespmem:s19], [sflag:$0x4], $0x80, s25, s16, $0xb8;
	[tilespmem:$0x1E900] =	vst v63  }
0x81: {  	_ =	swait.ge [sflag:s23], $0x4000  }
0x82: {  	s28 =	sshll.u32 s0, $0x6;
	s26 =	sadd.s32 $0x1, s26;
	[sflag:s23] =	ssyncset.done $0x0  }
0x83: {  	s29 =	sshrl.u32 s6, $0x3;
	p0 =	sne.s32 s26, s8;
	[sflag:s23] =	ssyncadd.s32 $0xFFFFC000  }
.Ltmp2:
0x84: {  	s28 =	sor.u32 $0x1C05, s28;
	[bflag:$0x0] =	sbarrier.arrive $0xFFFF;
	(pc) =	sbr.rel @p0 .LBB2_1-.Ltmp2, $4  }
0x85: {  	[hbm:s24], [sflag:s28] =	dma.local [spmem:s29], $0x2800  }
0x86: {  	_ =	swait.ge [sflag:s13], $0x2800  }
0x87: {  	[sflag:s13] =	ssyncset.done $0x0  }
0x88: {  	[sflag:s13] =	ssyncadd.s32 $0xFFFFD800  }
0x89: {  	_ =	sfence.sel $0x180000  }
0x8a: {  	[bflag:$0x0] =	sbarrier.arrive $0xFFFF  }
0x8b: {  	p0 =	sne.s32 s0, $0x0;
	_ =	strace $0x9000004D  }
0x8c: {  	s0 =	sadd.s32 @!p0 $0x100000, s2;
	[bflag:$0x2] =	sbarrier.arrive $0xFFFF  }
0x8d: {  	[sflag:s0] =	ssyncadd.tile.s32 @!p0 $0x1;
	_ =	shalt  }
.Lfunc_end2:
_tile_overlayer_lowered:
.L_overlay_start_2:
0x8e: {  	(tag) =	ssettag $0x2  }
0x8f: {  	s0 =	rddreg [dreg:$0x0];
	s2 =	stileid.u32  }
0x90: {  	s1 =	rddreg [dreg:$0x1];
	p0 =	sne.s32 s2, $0x0  }
0x91: {  	s3 =	rddreg [dreg:$0x2];
	[bflag:$0x3] =	sbarrier.arrive $0xFFFF;
	s2 =	simm.s32 @!p0 $0x1C05  }
0x92: {  	[timem:s3], [sflag:s2] =	dma.local @!p0 [hbm:s0], s1  }
0x93: {  	s0 =	simm.s32 @!p0 $0x5  }
0x94: {  	_ =	swait.ge @!p0 [sflag:s0], s1  }
0x95: {  	s1 =	ssub.s32 @!p0 $0x0, s1;
	[sflag:s0] =	ssyncset.done @!p0 $0x0  }
0x96: {  	[sflag:s0] =	ssyncadd.s32 @!p0 s1  }
0x97: {  	[bflag:$0x3] =	sbarrier.arrive $0xFFFF  }
0x98: {  	_ =	shalt  }

// kernel: kernel.9.cloned.1.call-start
scs
__scs_entry_jumppad:
0x0: {  	(pc) =	sbr.rel $0x88, $3  }
0x1: {  	(tag) =	ssettag $0x0;
	lr =	simm.s32 $0x1  }
0x2: {  	[smem:$0x3F9B] =	sst lr;
	_ =	strace $0xD0000000  }
0x3: {  	_ = 	snop  }
0x4: {  	_ = 	snop  }
0x5: {  	_ = 	snop  }
0x6: {  	_ = 	snop  }
0x7: {  	_ = 	snop  }
__scs_overlays_trampoline_lowered:
0x8: {  	[smem:$0x3FAA] =	sst s0  }
0x9: {  	[smem:$0x3FAB] =	sst s1  }
0xa: {  	[smem:$0x3FAC] =	sst s2  }
0xb: {  	[smem:$0x3FAD] =	sst s3  }
0xc: {  	[smem:$0x3FAE] =	sst s4  }
0xd: {  	[smem:$0x3FAF] =	sst s5  }
0xe: {  	[smem:$0x3FB0] =	sst s6  }
0xf: {  	[smem:$0x3FB1] =	sst s7  }
0x10: {  	[smem:$0x3FB2] =	sst s8  }
0x11: {  	[smem:$0x3FB3] =	sst s9;
	s0 =	simm.s32 @!p0 $0x0  }
0x12: {  	s1 =	sld [smem:$0x3F99];
	s0 =	simm.s32 @p0 $0x1  }
0x13: {  	[smem:$0x3FB4] =	sst s0;
	s0 =	simm.s32 @!p1 $0x0  }
0x14: {  	s2 =	sld [smem:$0x3F98];
	s0 =	simm.s32 @p1 $0x1  }
0x15: {  	[smem:$0x3FB5] =	sst s0;
	s0 =	simm.s32 @!p2 $0x0  }
0x16: {  	s3 =	sld [smem:$0x3FDB];
	s0 =	simm.s32 @p2 $0x1  }
0x17: {  	s4 =	simm.s32 $0x1BF5;
	[smem:$0x3FB7] =	sst s0  }
0x18: {  	s0 =	sld [smem:$0x3F9A];
	_ =	swait.ge [sflag:s4], $0x0  }
0x19: {  	s7 =	sld [smem:$0x3F9B]  }
0x1a: {  	s8 =	sadd.s32 $0xFFFFE003, lr  }
0x1b: {  	s9 =	sadd.s32 $0xFFFFFEF7, lr;
	s5 =	simm.s32 $0xFFFFFFFF;
	p2 =	slt.u32 s8, $0xFFFFF086  }
0x1c: {  	p1 =	slt.u32 s9, $0xF7A;
	s5 =	simm.s32 @!p2 $0x0  }
0x1d: {  	s5 =	simm.s32 @p1 $0x1;
	p0 =	seq.s32 s7, s2  }
0x1e: {  	s7 =	smul.u32 @!p0 $0xF7A, s2;
	p2 =	seq.s32 @!p0 s5, $0x0  }
0x1f: {  	s9 =	smul.u32 $0xF7A, s1;
	s8 =	simm.s32 @!p0 $0x1BF5;
	p2 =	por !p2, p0  }
0x20: {  	[sflag:s8] =	ssyncset.s32 @!p0 $0xFFFFF086;
	s6 =	sadd.s32 @!p0 s3, s7;
	s7 =	simm.s32 @!p0 $0x108  }
0x21: {  	s3 =	sadd.s32 s3, s9;
	s6 =	sadd.s32 @!p0 $0x88, s6;
	s7 =	simm.s32 @p2 $0x1082  }
0x22: {  	[simem:s7], [sflag:s8] =	dma.local @!p0 [hbm:s6], $0xF7A  }
0x23: {  	s9 =	sor.u32 $0xD0000000, s2;
	s6 =	simm.s32 $0x108;
	_ =	swait.ge @!p0 [sflag:s8], $0x0  }
0x24: {  	s3 =	sadd.s32 $0x88, s3;
	s6 =	simm.s32 @!p1 $0x1082;
	[sflag:s4] =	ssyncset.s32 $0xFFFFF086  }
0x25: {  	[simem:s6], [sflag:s4] =	dma.local [hbm:s3], $0xF7A  }
0x26: {  	[smem:$0x3F9B] =	sst s1;
	(tag) =	ssettag s2;
	_ =	strace s9  }
0x27: {  	s1 =	sld [smem:$0x3FAB]  }
0x28: {  	s2 =	sld [smem:$0x3FAC]  }
0x29: {  	s4 =	sld [smem:$0x3FAE]  }
0x2a: {  	p0 =	seq.s32 s5, $0x0;
	s5 =	sld [smem:$0x3FAF]  }
0x2b: {  	s6 =	sld [smem:$0x3FB0]  }
0x2c: {  	s7 =	sld [smem:$0x3FB1]  }
0x2d: {  	s3 =	simm.s32 $0x108;
	s8 =	sld [smem:$0x3FB2]  }
0x2e: {  	s3 =	simm.s32 @!p0 $0x1082;
	s9 =	sld [smem:$0x3FB3]  }
0x2f: {  	lr =	sadd.s32 s0, s3;
	s0 =	sld [smem:$0x3FAA]  }
0x30: {  	s3 =	sld [smem:$0x3FAD]  }
0x31: {  	[smem:$0x3FB6] =	sst s10  }
0x32: {  	s10 =	sld [smem:$0x3FB4];
	_ =	sdelay $0x3  }
0x33: {  	p0 =	seq.s32 s10, $0x1;
	s10 =	sld [smem:$0x3FB6];
	_ =	sdelay $0x3  }
0x34: {  	[smem:$0x3FB6] =	sst s10  }
0x35: {  	s10 =	sld [smem:$0x3FB5];
	_ =	sdelay $0x3  }
0x36: {  	p1 =	seq.s32 s10, $0x1;
	s10 =	sld [smem:$0x3FB6];
	_ =	sdelay $0x3  }
0x37: {  	[smem:$0x3FB6] =	sst s10  }
0x38: {  	s10 =	sld [smem:$0x3FB7]  }
0x39: {  	_ = 	snop;
	(pc) =	sbr.ind lr, $3  }
0x3a: {  	_ = 	snop  }
0x3b: {  	_ = 	snop  }
0x3c: {  	p2 =	seq.s32 s10, $0x1;
	s10 =	sld [smem:$0x3FB6]  }
0x3d: {  	_ =	shalt  }
0x3e: {  	_ =	shalt  }
0x3f: {  	_ =	shalt  }
0x40: {  	_ =	shalt  }
0x41: {  	_ =	shalt  }
0x42: {  	_ =	shalt  }
0x43: {  	_ =	shalt  }
0x44: {  	_ =	shalt  }
0x45: {  	_ =	shalt  }
0x46: {  	_ =	shalt  }
0x47: {  	_ =	shalt  }
0x48: {  	_ =	shalt  }
0x49: {  	_ =	shalt  }
0x4a: {  	_ =	shalt  }
0x4b: {  	_ =	shalt  }
0x4c: {  	_ =	shalt  }
0x4d: {  	_ =	shalt  }
0x4e: {  	_ =	shalt  }
0x4f: {  	_ =	shalt  }
0x50: {  	_ =	shalt  }
0x51: {  	_ =	shalt  }
0x52: {  	_ =	shalt  }
0x53: {  	_ =	shalt  }
0x54: {  	_ =	shalt  }
0x55: {  	_ =	shalt  }
0x56: {  	_ =	shalt  }
0x57: {  	_ =	shalt  }
0x58: {  	_ =	shalt  }
0x59: {  	_ =	shalt  }
0x5a: {  	_ =	shalt  }
0x5b: {  	_ =	shalt  }
0x5c: {  	_ =	shalt  }
0x5d: {  	_ =	shalt  }
0x5e: {  	_ =	shalt  }
0x5f: {  	_ =	shalt  }
0x60: {  	_ =	shalt  }
0x61: {  	_ =	shalt  }
0x62: {  	_ =	shalt  }
0x63: {  	_ =	shalt  }
0x64: {  	_ =	shalt  }
0x65: {  	_ =	shalt  }
0x66: {  	_ =	shalt  }
0x67: {  	_ =	shalt  }
0x68: {  	_ =	shalt  }
0x69: {  	_ =	shalt  }
0x6a: {  	_ =	shalt  }
0x6b: {  	_ =	shalt  }
0x6c: {  	_ =	shalt  }
0x6d: {  	_ =	shalt  }
0x6e: {  	_ =	shalt  }
0x6f: {  	_ =	shalt  }
0x70: {  	_ =	shalt  }
0x71: {  	_ =	shalt  }
0x72: {  	_ =	shalt  }
0x73: {  	_ =	shalt  }
0x74: {  	_ =	shalt  }
0x75: {  	_ =	shalt  }
0x76: {  	_ =	shalt  }
0x77: {  	_ =	shalt  }
0x78: {  	_ =	shalt  }
0x79: {  	_ =	shalt  }
0x7a: {  	_ =	shalt  }
0x7b: {  	_ =	shalt  }
0x7c: {  	_ =	shalt  }
0x7d: {  	_ =	shalt  }
0x7e: {  	_ =	shalt  }
0x7f: {  	_ =	shalt  }
0x80: {  	_ =	shalt  }
0x81: {  	_ =	shalt  }
0x82: {  	_ =	shalt  }
0x83: {  	_ =	shalt  }
0x84: {  	_ =	shalt  }
0x85: {  	_ =	shalt  }
0x86: {  	_ =	shalt  }
0x87: {  	_ =	shalt  }
.Lfunc_end0:
.L_simem_size_0:
called_computation_lowered:
.L_overlay_start_0:
0x88: {  	s2 =	sld [smem:$0x3FD9]  }
0x89: {  	s3 =	sld [smem:$0x3FFE];
	_ =	sdelay $0x1  }
0x8a: {  	s1 =	srdreg.scid  }
0x8b: {  	s0 =	sand.u32 $0x1, s1  }
0x8c: {  	s16 =	sshll.u32 s0, $0xA;
	s2 =	sadd.s32 s3, s2  }
0x8d: {  	s2 =	sadd.s32 s2, s16  }
0x8e: {  	[smem:$0x3FC2] =	sst s2  }
0x8f: {  	_ = 	snop  }
0x90: {  	(tm) =	ssettm $0x1  }
0x91: {  	s17 =	sld [smem:$0x3FFB];
	_ =	sdelay $0x3  }
0x92: {  	_ =	strace s17  }
0x93: {  	s2 =	sld [smem:$0x3FFC];
	_ =	sdelay $0x3  }
0x94: {  	_ =	strace s2  }
0x95: {  	s2 =	sld [smem:$0x3FFD];
	_ =	sdelay $0x3  }
0x96: {  	_ =	strace s2  }
0x97: {  	_ =	strace $0x8FFFFFFF  }
0x98: {  	s18 =	sld [smem:$0x3FDB];
	_ =	sdelay $0x1  }
0x99: {  	s19 =	simm.s32 $_scs_section_size  }
0x9a: {  	s4 =	simm.s32 $_size__tile_overlayer_lowered;
	s5 =	simm.s32 $_tile_overlayer_lowered  }
0x9b: {  	s22 =	simm.s32 $0x1BFF;
	s21 =	sshll.u32 s5, $0x1;
	s2 =	sadd.s32 s19, s18  }
0x9c: {  	s6 =	simm.s32 $0x0;
	s20 =	sshll.u32 s4, $0x1;
	s4 =	sadd.s32 s21, s2  }
0x9d: {  	[timem:s6], [sflag:s22] =	dma.local [hbm:s4], s20  }
0x9e: {  	_ =	swait.ge [sflag:s22], s20  }
0x9f: {  	s3 =	ssub.s32 $0x0, s20;
	[sflag:s22] =	ssyncset.done $0x0  }
0xa0: {  	[sflag:s22] =	ssyncadd.s32 s3;
	_ =	sdelay $0x1  }
0xa1: {  	s23 =	simm.s32 $0x1B8B  }
0xa2: {  	_ =	swait.ge [sflag:s23], $0x1  }
0xa3: {  	[sflag:s23] =	ssyncset.done $0x0  }
0xa4: {  	s25 =	simm.s32 $0x1B8E;
	s24 =	sld [smem:$0x3FFE];
	[sflag:s23] =	ssyncadd.s32 $0xFFFFFFFF  }
0xa5: {  	s26 =	simm.s32 $execute0_lowered;
	[smem:$0x3FD2] =	sst s25  }
0xa6: {  	s4 =	sshll.u32 s26, $0x1;
	_ =	strace $0x80000046;
	[dreg:$0x1] =	wrdreg $0xFFFFFFFF  }
0xa7: {  	s28 =	simm.s32 $_size_execute0_lowered;
	s2 =	sadd.s32 s2, s4;
	[dreg:$0x0] =	wrdreg $0x0  }
0xa8: {  	s4 =	sshll.u32 s28, $0x1;
	[dreg:$0x2] =	wrdreg s2  }
0xa9: {  	[dreg:$0x3] =	wrdreg s4  }
0xaa: {  	[dreg:$0x4] =	wrdreg $0xC0  }
0xab: {  	_ =	task [dreg:s6], $0x5FFFF  }
0xac: {  	[dreg:$0x1] =	wrdreg $0xFFFFFFFF  }
0xad: {  	[dreg:$0x0] =	wrdreg $0x60  }
0xae: {  	[dreg:$0x2] =	wrdreg s24  }
0xaf: {  	[dreg:$0x3] =	wrdreg $0x68000  }
0xb0: {  	[dreg:$0x4] =	wrdreg $0x9  }
0xb1: {  	_ =	task.clear_ibuf [dreg:s6], $0x5FFFF;
	_ =	strace $0x90000046  }
0xb2: {  	s29 =	simm.s32 $0x9;
	_ =	strace $0x80000048  }
0xb3: {  	_ =	swait.ge [sflag:s29], $0x1  }
0xb4: {  	[sflag:s29] =	ssyncadd.s32 $0xFFFFFFFF  }
0xb5: {  	_ =	strace $0x90000048  }
0xb6: {  	_ =	sfence  }
0xb7: {  	s30 =	sld [smem:$0x0];
	_ =	sdelay $0x2  }
0xb8: {  	s31 =	sshll.u32 s1, $0xD;
	s1 =	sshrl.u32 s1, $0x2  }
0xb9: {  	s3 =	sand.u32 $0x4000, s31;
	s1 =	sadd.s32 s1, s30  }
0xba: {  	s0 =	sor.u32 s3, s0;
	s1 =	sshll.u32 s1, $0x11  }
0xbb: {  	s0 =	sor.u32 s1, s0  }
0xbc: {  	s0 =	sadd.s32 $0x8F2B, s0  }
0xbd: {  	[sflag:s0] =	ssyncadd.remote.s32 $0x1  }
0xbe: {  	_ =	sfence.sel $0xFFFF  }
0xbf: {  	[dreg:$0x0] =	wrdreg $0xFFFFFFFF;
	(pc) =	sbr.abs _section_cstart, $3  }
0xc0: {  	[dreg:$0x1] =	wrdreg $0xFFFFFFFF  }
0xc1: {  	_ =	task.clear_ibuf [dreg:s6], $0x2FFFF;
	_ =	strace $0x9FFFFFFF  }
0xc2: {  	(tm) =	ssettm $0x7FFFFFFF  }
0xc3: {  	_ =	shalt  }
tec
execute0_lowered:
.L_overlay_start_1:
0x0: {  	(tag) =	ssettag $0x1  }
0x1: {  	s1 =	srdreg.scid;
	s5 =	rddreg [dreg:$0x0]  }
0x2: {  	s0 =	stileid.u32;
	s2 =	rddreg [dreg:$0x1]  }
0x3: {  	s3 =	simm.s32 $0x0;
	s11 =	simm.s32 $0x1;
	s12 =	simm.s32 $0x2800  }
0x4: {  	s13 =	simm.s32 $0x80;
	s17 =	simm.s32 $0x0;
	s8 =	smul.u32 $0x50000, s0  }
0x5: {  	s4 =	sand.u32 $0x1, s1;
	s29 =	sshll.u32 s0, $0x1;
	s15 =	smul.u32 $0x2800, s0  }
0x6: {  	[smem:$0x7FF] =	sst s3;
	s1 =	sor.u32 s4, s29;
	s7 =	smul.u32 $0x28000, s4  }
0x7: {  	s31 =	sshll.u32 s0, $0x6;
	s4 =	ssub.s32 $0x2, s4;
	s6 =	smul.u32 $0x500, s1  }
0x8: {  	s1 =	rddreg [dreg:$0x2];
	_ =	strace $0x80000047;
	s30 =	sshrl.u32 s4, $0x1  }
0x9: {  	s8 =	sshrl.u32 s8, $0x2;
	s7 =	sadd.s32 s7, s5;
	s9 =	ssub.s32 s4, s30  }
0xa: {  	s6 =	sadd.s32 s6, s5;
	s5 =	sadd.s32 s8, s2;
	s14 =	sadd.s32 $0xC600, s7  }
0xb: {  	s4 =	sadd.s32 $0x2600, s6;
	s6 =	smax.u32 s9, $0x1;
	s7 =	sadd.s32 $0x4000, s5  }
0xc: {  	s8 =	sadd.s32 $0x8000, s5;
	s9 =	sadd.s32 $0xC000, s5;
	s10 =	sadd.s32 $0x10000, s5  }
0xd: {  	v0 =	vimm.f32 $0.0e+00;
	v1 =	vimm.f32 $1.000000000e+00;
	s14 =	sadd.s32 s15, s14;
	s15 =	sor.u32 $0x1C01, s31;
	s16 =	sshrl.u32 s5, $0x3  }
.LBB2_1:
0xe: {  	[tilespmem:s3], [sflag:$0x1] =	stream.linear.gather [hbm4b:s4+s3], $0x2800, $0x38;
	[tilespmem:$0x9000] =	vst v63  }
0xf: {  	_ =	swait.ge [sflag:s11], $0x2800  }
0x10: {  	[sflag:s11] =	ssyncset.done $0x0  }
0x11: {  	s18 =	simm.s32 $0x200;
	s19 =	simm.s32 $0x0;
	[sflag:s11] =	ssyncadd.s32 $0xFFFFD800  }
.LBB2_2:
0x12: {  	p0 =	sne.s32 s18, $0xFE00;
	[tilespmem:s19+$0x2800] =	vst v0;
	s19 =	smov.u32 s18;
	s18 =	sadd.s32 $0x200, s18  }
.Ltmp0:
0x13: {  	(pc) =	sbr.rel @p0 .LBB2_2-.Ltmp0, $2  }
0x14: {  	_ =	sdelay $0x2  }
0x15: {  	s19 =	sshra.s32 s19, $0x2  }
0x16: {  	[tilespmem:s19+$0x2800] =	vst v0  }
0x17: {  	[spmem:s5] =	stream.linear.scatter [tilespmem:s12], [sflag:$0x1], $0x4000, $0x38;
	[tilespmem:$0x9000] =	vst v63  }
0x18: {  	_ =	swait.ge [sflag:s11], $0x4000  }
0x19: {  	[sflag:s11] =	ssyncset.done $0x0  }
0x1a: {  	[sflag:s11] =	ssyncadd.s32 $0xFFFFC000  }
0x1b: {  	[spmem:s7] =	stream.linear.scatter [tilespmem:s12], [sflag:$0x1], $0x4000, $0x38;
	[tilespmem:$0x9000] =	vst v63  }
0x1c: {  	_ =	swait.ge [sflag:s11], $0x4000  }
0x1d: {  	[sflag:s11] =	ssyncset.done $0x0  }
0x1e: {  	[sflag:s11] =	ssyncadd.s32 $0xFFFFC000  }
0x1f: {  	[spmem:s8] =	stream.linear.scatter [tilespmem:s12], [sflag:$0x1], $0x4000, $0x38;
	[tilespmem:$0x9000] =	vst v63  }
0x20: {  	_ =	swait.ge [sflag:s11], $0x4000  }
0x21: {  	[sflag:s11] =	ssyncset.done $0x0  }
0x22: {  	[sflag:s11] =	ssyncadd.s32 $0xFFFFC000  }
0x23: {  	[spmem:s9] =	stream.linear.scatter [tilespmem:s12], [sflag:$0x1], $0x4000, $0x38;
	[tilespmem:$0x9000] =	vst v63  }
0x24: {  	_ =	swait.ge [sflag:s11], $0x4000  }
0x25: {  	[sflag:s11] =	ssyncset.done $0x0  }
0x26: {  	[sflag:s11] =	ssyncadd.s32 $0xFFFFC000  }
0x27: {  	[spmem:s10] =	stream.linear.scatter [tilespmem:s12], [sflag:$0x1], $0x4000, $0x38;
	[tilespmem:$0x9000] =	vst v63  }
0x28: {  	_ =	swait.ge [sflag:s11], $0x4000  }
0x29: {  	[sflag:s11] =	ssyncset.done $0x0  }
0x2a: {  	s18 =	simm.s32 $0x200;
	s19 =	simm.s32 $0x0;
	[sflag:s11] =	ssyncadd.s32 $0xFFFFC000  }
.LBB2_4:
0x2b: {  	p0 =	sne.s32 s18, $0xFE00;
	[tilespmem:s19+$0x2800] =	vst v1;
	s19 =	smov.u32 s18;
	s18 =	sadd.s32 $0x200, s18  }
.Ltmp1:
0x2c: {  	(pc) =	sbr.rel @p0 .LBB2_4-.Ltmp1, $2  }
0x2d: {  	_ =	sdelay $0x2  }
0x2e: {  	s19 =	sshra.s32 s19, $0x2  }
0x2f: {  	[tilespmem:s19+$0x2800] =	vst v1  }
0x30: {  	s18 =	simm.s32 $0x0;
	[bflag:$0x0] =	sbarrier.arrive $0xFFFF  }
0x31: {  	[spmem:s2] =	stream.indirect.scatter.add.f32 [tilespmem:s12], [sflag:$0x1], $0x10, s18, s13, $0xb8;
	[tilespmem:$0x9000] =	vst v63  }
0x32: {  	_ =	swait.ge [sflag:s11], $0x800  }
0x33: {  	s18 =	simm.s32 $0x200;
	[sflag:s11] =	ssyncset.done $0x0  }
.LBB2_6:
0x34: {  	s19 =	sshra.s32 s18, $0x2;
	[sflag:s11] =	ssyncadd.s32 $0xFFFFF800;
	p0 =	sne.s32 s18, $0x9E00  }
0x35: {  	[spmem:s2] =	stream.indirect.scatter.add.f32 [tilespmem:s12], [sflag:$0x1], $0x10, s19, s13, $0xb8;
	[tilespmem:$0x9000] =	vst v63  }
.Ltmp2:
0x36: {  	_ = 	snop;
	(pc) =	sbr.rel @p0 .LBB2_6-.Ltmp2, $4  }
0x37: {  	_ = 	snop  }
0x38: {  	s18 =	sadd.s32 $0x200, s18  }
0x39: {  	_ =	swait.ge [sflag:s11], $0x800  }
0x3a: {  	[sflag:s11] =	ssyncset.done $0x0  }
0x3b: {  	s17 =	sadd.s32 $0x1, s17  }
0x3c: {  	[sflag:s11] =	ssyncadd.s32 $0xFFFFF800;
	p0 =	sne.s32 s17, s6  }
.Ltmp3:
0x3d: {  	[bflag:$0x0] =	sbarrier.arrive $0xFFFF;
	(pc) =	sbr.rel @p0 .LBB2_1-.Ltmp3, $4  }
0x3e: {  	[hbm:s14], [sflag:s15] =	dma.local [spmem:s16], $0x2800  }
0x3f: {  	_ =	swait.ge [sflag:s11], $0x2800  }
0x40: {  	[sflag:s11] =	ssyncset.done $0x0  }
0x41: {  	[sflag:s11] =	ssyncadd.s32 $0xFFFFD800  }
0x42: {  	_ =	sfence.sel $0x180000  }
0x43: {  	[bflag:$0x0] =	sbarrier.arrive $0xFFFF  }
0x44: {  	p0 =	sne.s32 s0, $0x0;
	_ =	strace $0x90000047  }
0x45: {  	s0 =	sadd.s32 @!p0 $0x100000, s1;
	[bflag:$0x2] =	sbarrier.arrive $0xFFFF  }
0x46: {  	[sflag:s0] =	ssyncadd.tile.s32 @!p0 $0x1;
	_ =	shalt  }
.Lfunc_end2:
_tile_overlayer_lowered:
.L_overlay_start_2:
0x47: {  	(tag) =	ssettag $0x2  }
0x48: {  	s0 =	rddreg [dreg:$0x0];
	s2 =	stileid.u32  }
0x49: {  	s1 =	rddreg [dreg:$0x1];
	p0 =	sne.s32 s2, $0x0  }
0x4a: {  	s3 =	rddreg [dreg:$0x2];
	[bflag:$0x3] =	sbarrier.arrive $0xFFFF;
	s2 =	simm.s32 @!p0 $0x1C01  }
0x4b: {  	[timem:s3], [sflag:s2] =	dma.local @!p0 [hbm:s0], s1  }
0x4c: {  	s0 =	simm.s32 @!p0 $0x1  }
0x4d: {  	_ =	swait.ge @!p0 [sflag:s0], s1  }
0x4e: {  	s1 =	ssub.s32 @!p0 $0x0, s1;
	[sflag:s0] =	ssyncset.done @!p0 $0x0  }
0x4f: {  	[sflag:s0] =	ssyncadd.s32 @!p0 s1  }
0x50: {  	[bflag:$0x3] =	sbarrier.arrive $0xFFFF  }
0x51: {  	_ =	shalt  }

</sc_bundles>
